<compile_context>
chip_gen: v7x
topology: tpu7x:2x2x1
jax: 0.10.2.dev20260603
libtpu: 0.0.44.dev20260713+nightly
codegen_flags: <defaults>
</compile_context>

<pallas_src>
import functools
import math

import jax
import jax.numpy as jnp
from jax import lax
from jax.experimental import pallas as pl
from jax.experimental.pallas import tpu as pltpu
from jax.experimental.pallas import tpu_sc as plsc

S, D, E, N = 2048, 1024, 8, 2048
CAP = math.floor(1.25 * S / E)
CAP += CAP % 2
CAP = max(CAP, 4)
EC = E * CAP
N_TILE = 2048
NT = N // N_TILE
NW = 32
SLOTS_W = EC // NW
BIG = 1 << 30


def _routing_kernel(x_ref, gw_ref, dest_ref):
    logits = jax.lax.dot_general(
        gw_ref[...], x_ref[...], (((1,), (1,)), ((), ())),
        preferred_element_type=jnp.float32)
    erow = jax.lax.broadcasted_iota(jnp.int32, (E, S), 0)
    m1v = jnp.max(logits, axis=0, keepdims=True)
    idx1 = jnp.min(jnp.where(logits == m1v, erow, E), axis=0, keepdims=True)
    mask1 = erow == idx1
    l2 = jnp.where(mask1, -jnp.inf, logits)
    m2v = jnp.max(l2, axis=0, keepdims=True)
    idx2 = jnp.min(jnp.where(l2 == m2v, erow, E), axis=0, keepdims=True)
    mask2 = erow == idx2
    trow = jax.lax.broadcasted_iota(jnp.int32, (S, 1), 0)
    tcol = jax.lax.broadcasted_iota(jnp.int32, (1, S), 1)
    utri = (trow <= tcol).astype(jnp.bfloat16)
    m12 = jnp.concatenate(
        [mask1.astype(jnp.bfloat16), mask2.astype(jnp.bfloat16)], axis=0)
    cs12 = jax.lax.dot_general(
        m12, utri, (((1,), (0,)), ((), ())),
        preferred_element_type=jnp.float32).astype(jnp.int32)
    n1 = jnp.sum(mask1.astype(jnp.int32), axis=1, keepdims=True)
    rank1 = cs12[:E] - 1
    rank2 = cs12[E:] - 1 + n1
    ok1 = mask1 & (rank1 < CAP)
    ok2 = mask2 & (rank2 < CAP)
    slot = erow * CAP
    d1 = jnp.sum(jnp.where(ok1, slot + rank1, 0), axis=0, keepdims=True)
    v1 = jnp.sum(ok1.astype(jnp.int32), axis=0, keepdims=True)
    d2 = jnp.sum(jnp.where(ok2, slot + rank2, 0), axis=0, keepdims=True)
    v2 = jnp.sum(ok2.astype(jnp.int32), axis=0, keepdims=True)
    dest_ref[0] = jnp.where(v1 > 0, d1, BIG)
    dest_ref[1] = jnp.where(v2 > 0, d2, BIG)


def _routing(x, gate_w):
    return pl.pallas_call(
        _routing_kernel,
        out_shape=jax.ShapeDtypeStruct((2, 1, S), jnp.int32),
    )(x, gate_w)


CHUNK = 16
NCH = SLOTS_W // CHUNK


def _dispatch_sc(dest_hbm, x_hbm, disp_hbm, valid_hbm, d1_v, d2_v, val_v,
                 src_c, rows_c, gsems, wsem):
    wid = lax.axis_index("s") * 2 + lax.axis_index("c")
    lo = wid * SLOTS_W
    pltpu.sync_copy(dest_hbm.at[0, 0], d1_v)
    pltpu.sync_copy(dest_hbm.at[1, 0], d2_v)
    zeros16 = jnp.zeros((16,), jnp.int32)
    for j in range(SLOTS_W // 16):
        val_v[pl.ds(j * 16, 16)] = zeros16

    def body(j, carry):
        for u in range(4):
            toks = lax.iota(jnp.int32, 16) + (j * 4 + u) * 16
            for dv in (d1_v, d2_v):
                d = dv[pl.ds((j * 4 + u) * 16, 16)]
                rel = d - lo
                m = (rel >= 0) & (rel < SLOTS_W)
                idx = jnp.where(m, rel, 0)
                plsc.store_scatter(val_v, [idx], toks + 1, mask=m)
        return carry

    lax.fori_loop(0, S // 64, body, 0)
    gathers = []
    for c in range(NCH):
        v = val_v[pl.ds(c * CHUNK, 16)]
        src_c[c][...] = jnp.maximum(v - 1, 0)
        gathers.append(
            pltpu.async_copy(x_hbm.at[src_c[c]], rows_c[c], gsems[c]))
    writes = []
    for c in range(NCH):
        gathers[c].wait()
        writes.append(pltpu.async_copy(
            rows_c[c], disp_hbm.at[pl.ds(lo + c * CHUNK, CHUNK)], wsem))
    for wc in writes:
        wc.wait()
    pltpu.sync_copy(val_v, valid_hbm.at[wid])


@functools.partial(
    pl.kernel,
    mesh=plsc.VectorSubcoreMesh(core_axis_name="c", subcore_axis_name="s"),
    compiler_params=pltpu.CompilerParams(needs_layout_passes=False),
    out_type=[
        jax.ShapeDtypeStruct((EC, D), jnp.float32),
        jax.ShapeDtypeStruct((NW, SLOTS_W), jnp.int32),
    ],
    scratch_types=[
        pltpu.VMEM((S,), jnp.int32),
        pltpu.VMEM((S,), jnp.int32),
        pltpu.VMEM((SLOTS_W,), jnp.int32),
        [pltpu.VMEM((CHUNK,), jnp.int32) for _ in range(NCH)],
        [pltpu.VMEM((CHUNK, D), jnp.float32) for _ in range(NCH)],
        [pltpu.SemaphoreType.DMA for _ in range(NCH)],
        pltpu.SemaphoreType.DMA,
    ],
)
def _dispatch(dest_hbm, x_hbm, disp_hbm, valid_hbm, *rest):
    _dispatch_sc(dest_hbm, x_hbm, disp_hbm, valid_hbm, *rest)


def _gemm_kernel(disp_ref, valid_ref, w_ref, o_ref):
    v = (valid_ref[0] > 0).astype(jnp.float32)
    o_ref[...] = jax.lax.dot_general(
        disp_ref[...] * v, w_ref[0], (((1,), (0,)), ((), ())),
        preferred_element_type=jnp.float32)[None]


def _gemm(disp, valid, expert_w):
    return pl.pallas_call(
        _gemm_kernel,
        grid=(E, NT),
        in_specs=[
            pl.BlockSpec((CAP, D), lambda e, n: (e, 0)),
            pl.BlockSpec((1, CAP, 1), lambda e, n: (e, 0, 0)),
            pl.BlockSpec((1, D, N_TILE), lambda e, n: (e, 0, n)),
        ],
        out_specs=pl.BlockSpec((1, CAP, N_TILE), lambda e, n: (e, 0, n)),
        out_shape=jax.ShapeDtypeStruct((E, CAP, N), jnp.float32),
    )(disp, valid, expert_w)


def kernel(inputs, gate_w, expert_w):
    dest = _routing(inputs, gate_w)
    disp, valid = _dispatch(dest, inputs)
    valid3 = valid.reshape(E, CAP, 1)
    return _gemm(disp, valid3, expert_w)

# --- scband reference (transcript-rebuilt; emitter-appended) ---
"""Pipeline reference for scband-expert-parallel-front-block-47863115546643 (READ-ONLY COPY).

The authoritative reference and input builder live on the scoring server;
editing this copy changes nothing except your own understanding.
"""

import jax, jax.numpy as jnp
import numpy as np
import math

S, D, E, N, TOPK = 2048, 1024, 8, 2048, 2

def setup_inputs(seed: int = 0) -> dict:
    key = jax.random.key(seed)
    k1, k2, k3 = jax.random.split(key, 3)
    x = jax.random.normal(k1, (S, D), dtype=jnp.float32)
    # FP32LinearGate weight: trunc_normal(std=sqrt(0.1/d_model))
    gate_w = jax.random.truncated_normal(k2, -2.0, 2.0, (E, D), dtype=jnp.float32) * math.sqrt(0.1 / D)
    # per-expert linear weights [E, in_features, out_features]
    expert_w = jax.random.normal(k3, (E, D, N), dtype=jnp.float32) * (1.0 / math.sqrt(D))
    return {"inputs": x, "gate_w": gate_w, "expert_w": expert_w}

def reference(inputs, gate_w, expert_w):
    x = inputs
    Stok, Dm = x.shape
    Ne = gate_w.shape[0]
    # --- FP32 gate ---
    gate_logits = jnp.dot(x.astype(jnp.float32), gate_w.astype(jnp.float32).T)  # [S, E]
    logits = jax.nn.softmax(gate_logits, axis=-1)
    # --- capacity (training path) ---
    capacity = math.floor(1.25 * Stok / Ne)
    capacity += capacity % 2
    capacity = max(capacity, 4)
    # --- Top2 routing ---
    top1_idx = jnp.argmax(logits, axis=-1)
    mask1 = jax.nn.one_hot(top1_idx, Ne, dtype=jnp.int32)
    logits_except1 = jnp.where(mask1.astype(bool), -jnp.inf, logits)
    top2_idx = jnp.argmax(logits_except1, axis=-1)
    mask2 = jax.nn.one_hot(top2_idx, Ne, dtype=jnp.int32)
    cmask = mask1 + mask2
    # aux loss (computed in training; not returned by the front block output path)
    me = jnp.mean(logits, axis=0)
    ce = jnp.mean(cmask.astype(jnp.float32), axis=0)
    l_aux = Ne * jnp.sum(me * ce) / 2.0
    _ = l_aux
    # cum_sum_d0_minus_one
    rank1 = jnp.cumsum(mask1, axis=0) - 1
    rank2 = jnp.cumsum(mask2, axis=0) - 1
    rank2 = rank2 + jnp.sum(mask1, axis=-2, keepdims=True)
    mask1 = mask1 * (rank1 < capacity).astype(jnp.int32)
    mask2 = mask2 * (rank2 < capacity).astype(jnp.int32)
    rank1 = jnp.sum(mask1 * rank1, axis=-1)  # [S]
    rank2 = jnp.sum(mask2 * rank2, axis=-1)
    valid1 = jnp.sum(mask1, axis=-1)  # 0/1 per token
    valid2 = jnp.sum(mask2, axis=-1)
    # --- dispatch: equivalent to einsum('sec,sm->ecm', sec_mask, x), done as scatter-add ---
    dest1 = top1_idx * capacity + rank1
    dest2 = top2_idx * capacity + rank2
    disp = jnp.zeros((Ne * capacity, Dm), dtype=x.dtype)
    disp = disp.at[dest1].add(x * valid1[:, None].astype(x.dtype))
    disp = disp.at[dest2].add(x * valid2[:, None].astype(x.dtype))
    disp = disp.reshape(Ne, capacity, Dm)
    # --- expert-parallel front linear (all-to-all omitted: single shard) ---
    expert_out = jnp.einsum('ecd,edn->ecn', disp, expert_w)  # [E, C, N]
    return expert_out

if __name__ == "__main__":
    import jax
    _d = setup_inputs()
    print(jax.jit(kernel)(*tuple(_d.values())))

</pallas_src>

<mosaic_0001>
#map = affine_map<(d0, d1) -> (0, 0, 0)>
#map1 = affine_map<(d0, d1) -> (0, 0)>
module attributes {stable_mosaic.version = 14 : i64} {
  func.func @_dispatch(%arg0: i32, %arg1: i32, %arg2: memref<2x1x2048xi32, #tpu.memory_space<hbm>>, %arg3: memref<2048x1024xf32, #tpu.memory_space<hbm>>, %arg4: memref<2560x1024xf32, #tpu.memory_space<hbm>>, %arg5: memref<32x80xi32, #tpu.memory_space<hbm>>, %arg6: memref<2048xi32, #tpu.memory_space<vmem>>, %arg7: memref<2048xi32, #tpu.memory_space<vmem>>, %arg8: memref<80xi32, #tpu.memory_space<vmem>>, %arg9: memref<16xi32, #tpu.memory_space<vmem>>, %arg10: memref<16xi32, #tpu.memory_space<vmem>>, %arg11: memref<16xi32, #tpu.memory_space<vmem>>, %arg12: memref<16xi32, #tpu.memory_space<vmem>>, %arg13: memref<16xi32, #tpu.memory_space<vmem>>, %arg14: memref<16x1024xf32, #tpu.memory_space<vmem>>, %arg15: memref<16x1024xf32, #tpu.memory_space<vmem>>, %arg16: memref<16x1024xf32, #tpu.memory_space<vmem>>, %arg17: memref<16x1024xf32, #tpu.memory_space<vmem>>, %arg18: memref<16x1024xf32, #tpu.memory_space<vmem>>, %arg19: memref<!tpu.dma_semaphore, #tpu.memory_space<semaphore_mem>>, %arg20: memref<!tpu.dma_semaphore, #tpu.memory_space<semaphore_mem>>, %arg21: memref<!tpu.dma_semaphore, #tpu.memory_space<semaphore_mem>>, %arg22: memref<!tpu.dma_semaphore, #tpu.memory_space<semaphore_mem>>, %arg23: memref<!tpu.dma_semaphore, #tpu.memory_space<semaphore_mem>>, %arg24: memref<!tpu.dma_semaphore, #tpu.memory_space<semaphore_mem>>) attributes {dimension_semantics = [#tpu.dimension_semantics<core_parallel>, #tpu.dimension_semantics<subcore_parallel>], iteration_bounds = array<i64: 2, 16>, scalar_prefetch = 0 : i64, scratch_operands = 19 : i64, tpu.core_type = #tpu.core_type<sc_vector_subcore>, window_params = [{transform_indices = #map}, {transform_indices = #map1}, {transform_indices = #map1}, {transform_indices = #map1}]} {
    %mul3A = arith.constant 2 : i32
    %mul3A_0 = arith.muli %arg1, %mul3A : i32
    %add3A = arith.addi %mul3A_0, %arg0 : i32
    %mul3A_1 = arith.constant 80 : i32
    %mul3A_2 = arith.muli %add3A, %mul3A_1 : i32
    %run_scoped3A = arith.constant 0 : i32
    %run_scoped3A_3 = arith.constant 0 : i32
    "tpu.region"() ({
      %run_scoped3A_146 = tpu.sem_alloc : memref<!tpu.dma_semaphore, #tpu.memory_space<semaphore_mem>>
      %dma_start3A_147 = arith.constant 0 : i32
      %dma_start3A_148 = tpu.memref_slice %arg2[%run_scoped3A, %run_scoped3A_3, %dma_start3A_147] : memref<2x1x2048xi32, #tpu.memory_space<hbm>> -> memref<1x1x2048xi32, #tpu.memory_space<hbm>>
      %dma_start3A_149 = tpu.memref_squeeze %dma_start3A_148 : memref<1x1x2048xi32, #tpu.memory_space<hbm>> -> memref<2048xi32, #tpu.memory_space<hbm>>
      %dma_start3A_150 = arith.constant 0 : i32
      %dma_start3A_151 = tpu.memref_slice %arg2[%run_scoped3A, %run_scoped3A_3, %dma_start3A_150] : memref<2x1x2048xi32, #tpu.memory_space<hbm>> -> memref<1x1x2048xi32, #tpu.memory_space<hbm>>
      %dma_start3A_152 = tpu.memref_squeeze %dma_start3A_151 : memref<1x1x2048xi32, #tpu.memory_space<hbm>> -> memref<2048xi32, #tpu.memory_space<hbm>>
      tpu.enqueue_dma source(%dma_start3A_152 : memref<2048xi32, #tpu.memory_space<hbm>>) target(%arg6 : memref<2048xi32, #tpu.memory_space<vmem>>) target_semaphore(%run_scoped3A_146 : memref<!tpu.dma_semaphore, #tpu.memory_space<semaphore_mem>>)
      %dma_wait3A_153 = arith.constant 0 : i32
      %dma_wait3A_154 = tpu.memref_slice %arg2[%run_scoped3A, %run_scoped3A_3, %dma_wait3A_153] : memref<2x1x2048xi32, #tpu.memory_space<hbm>> -> memref<1x1x2048xi32, #tpu.memory_space<hbm>>
      %dma_wait3A_155 = tpu.memref_squeeze %dma_wait3A_154 : memref<1x1x2048xi32, #tpu.memory_space<hbm>> -> memref<2048xi32, #tpu.memory_space<hbm>>
      %dma_wait3A_156 = arith.constant 0 : i32
      %dma_wait3A_157 = tpu.memref_slice %arg2[%run_scoped3A, %run_scoped3A_3, %dma_wait3A_156] : memref<2x1x2048xi32, #tpu.memory_space<hbm>> -> memref<1x1x2048xi32, #tpu.memory_space<hbm>>
      %dma_wait3A_158 = tpu.memref_squeeze %dma_wait3A_157 : memref<1x1x2048xi32, #tpu.memory_space<hbm>> -> memref<2048xi32, #tpu.memory_space<hbm>>
      tpu.wait_dma2 semaphore(%run_scoped3A_146 : memref<!tpu.dma_semaphore, #tpu.memory_space<semaphore_mem>>) src(%dma_wait3A_158 : memref<2048xi32, #tpu.memory_space<hbm>>) dst(%arg6 : memref<2048xi32, #tpu.memory_space<vmem>>)
      tpu.yield
    }) : () -> ()
    %run_scoped3A_4 = arith.constant 1 : i32
    %run_scoped3A_5 = arith.constant 0 : i32
    "tpu.region"() ({
      %run_scoped3A_146 = tpu.sem_alloc : memref<!tpu.dma_semaphore, #tpu.memory_space<semaphore_mem>>
      %dma_start3A_147 = arith.constant 0 : i32
      %dma_start3A_148 = tpu.memref_slice %arg2[%run_scoped3A_4, %run_scoped3A_5, %dma_start3A_147] : memref<2x1x2048xi32, #tpu.memory_space<hbm>> -> memref<1x1x2048xi32, #tpu.memory_space<hbm>>
      %dma_start3A_149 = tpu.memref_squeeze %dma_start3A_148 : memref<1x1x2048xi32, #tpu.memory_space<hbm>> -> memref<2048xi32, #tpu.memory_space<hbm>>
      %dma_start3A_150 = arith.constant 0 : i32
      %dma_start3A_151 = tpu.memref_slice %arg2[%run_scoped3A_4, %run_scoped3A_5, %dma_start3A_150] : memref<2x1x2048xi32, #tpu.memory_space<hbm>> -> memref<1x1x2048xi32, #tpu.memory_space<hbm>>
      %dma_start3A_152 = tpu.memref_squeeze %dma_start3A_151 : memref<1x1x2048xi32, #tpu.memory_space<hbm>> -> memref<2048xi32, #tpu.memory_space<hbm>>
      tpu.enqueue_dma source(%dma_start3A_152 : memref<2048xi32, #tpu.memory_space<hbm>>) target(%arg7 : memref<2048xi32, #tpu.memory_space<vmem>>) target_semaphore(%run_scoped3A_146 : memref<!tpu.dma_semaphore, #tpu.memory_space<semaphore_mem>>)
      %dma_wait3A_153 = arith.constant 0 : i32
      %dma_wait3A_154 = tpu.memref_slice %arg2[%run_scoped3A_4, %run_scoped3A_5, %dma_wait3A_153] : memref<2x1x2048xi32, #tpu.memory_space<hbm>> -> memref<1x1x2048xi32, #tpu.memory_space<hbm>>
      %dma_wait3A_155 = tpu.memref_squeeze %dma_wait3A_154 : memref<1x1x2048xi32, #tpu.memory_space<hbm>> -> memref<2048xi32, #tpu.memory_space<hbm>>
      %dma_wait3A_156 = arith.constant 0 : i32
      %dma_wait3A_157 = tpu.memref_slice %arg2[%run_scoped3A_4, %run_scoped3A_5, %dma_wait3A_156] : memref<2x1x2048xi32, #tpu.memory_space<hbm>> -> memref<1x1x2048xi32, #tpu.memory_space<hbm>>
      %dma_wait3A_158 = tpu.memref_squeeze %dma_wait3A_157 : memref<1x1x2048xi32, #tpu.memory_space<hbm>> -> memref<2048xi32, #tpu.memory_space<hbm>>
      tpu.wait_dma2 semaphore(%run_scoped3A_146 : memref<!tpu.dma_semaphore, #tpu.memory_space<semaphore_mem>>) src(%dma_wait3A_158 : memref<2048xi32, #tpu.memory_space<hbm>>) dst(%arg7 : memref<2048xi32, #tpu.memory_space<vmem>>)
      tpu.yield
    }) : () -> ()
    %broadcast_in_dim3A = arith.constant 0 : i32
    %broadcast_in_dim3A_6 = vector.broadcast %broadcast_in_dim3A : i32 to vector<16xi32>
    %swap3A = arith.constant 0 : index
    %swap3A_7 = tpu.vector_load %arg8[%swap3A] {strides = array<i32>} : memref<80xi32, #tpu.memory_space<vmem>>, vector<16xi32>,
    tpu.vector_store %arg8[%swap3A], %broadcast_in_dim3A_6 {strides = array<i32>} : memref<80xi32, #tpu.memory_space<vmem>>, vector<16xi32>,
    %swap3A_8 = arith.constant 16 : index
    %swap3A_9 = tpu.vector_load %arg8[%swap3A_8] {strides = array<i32>} : memref<80xi32, #tpu.memory_space<vmem>>, vector<16xi32>,
    tpu.vector_store %arg8[%swap3A_8], %broadcast_in_dim3A_6 {strides = array<i32>} : memref<80xi32, #tpu.memory_space<vmem>>, vector<16xi32>,
    %swap3A_10 = arith.constant 32 : index
    %swap3A_11 = tpu.vector_load %arg8[%swap3A_10] {strides = array<i32>} : memref<80xi32, #tpu.memory_space<vmem>>, vector<16xi32>,
    tpu.vector_store %arg8[%swap3A_10], %broadcast_in_dim3A_6 {strides = array<i32>} : memref<80xi32, #tpu.memory_space<vmem>>, vector<16xi32>,
    %swap3A_12 = arith.constant 48 : index
    %swap3A_13 = tpu.vector_load %arg8[%swap3A_12] {strides = array<i32>} : memref<80xi32, #tpu.memory_space<vmem>>, vector<16xi32>,
    tpu.vector_store %arg8[%swap3A_12], %broadcast_in_dim3A_6 {strides = array<i32>} : memref<80xi32, #tpu.memory_space<vmem>>, vector<16xi32>,
    %swap3A_14 = arith.constant 64 : index
    %swap3A_15 = tpu.vector_load %arg8[%swap3A_14] {strides = array<i32>} : memref<80xi32, #tpu.memory_space<vmem>>, vector<16xi32>,
    tpu.vector_store %arg8[%swap3A_14], %broadcast_in_dim3A_6 {strides = array<i32>} : memref<80xi32, #tpu.memory_space<vmem>>, vector<16xi32>,
    %scan3A = arith.constant 0 : i32
    %scan3A_16 = arith.constant 0 : i32
    %scan3A_17 = arith.constant 32 : i32
    %scan3A_18 = arith.addi %scan3A_16, %scan3A_17 : i32
    %scan3A_19 = arith.constant 1 : i32
    scf.for %scan3A_146 = %scan3A_16 to %scan3A_18 step %scan3A_19  : i32 {
      %iota3A = tpu.iota {dimensions = array<i32: 0>} : vector<16xi32>
      %mul3A_147 = arith.constant 4 : i32
      %mul3A_148 = arith.muli %scan3A_146, %mul3A_147 : i32
      %add3A_149 = arith.constant 0 : i32
      %add3A_150 = arith.addi %mul3A_148, %add3A_149 : i32
      %mul3A_151 = arith.constant 16 : i32
      %mul3A_152 = arith.muli %add3A_150, %mul3A_151 : i32
      %add3A_153 = vector.broadcast %mul3A_152 : i32 to vector<16xi32>
      %add3A_154 = arith.addi %iota3A, %add3A_153 : vector<16xi32>
      %mul3A_155 = arith.constant 4 : i32
      %mul3A_156 = arith.muli %scan3A_146, %mul3A_155 : i32
      %add3A_157 = arith.constant 0 : i32
      %add3A_158 = arith.addi %mul3A_156, %add3A_157 : i32
      %mul3A_159 = arith.constant 16 : i32
      %mul3A_160 = arith.muli %add3A_158, %mul3A_159 : i32
      %get3A_161 = arith.index_cast %mul3A_160 : i32 to index
      %get3A_162 = tpu.vector_load %arg6[%get3A_161] {strides = array<i32>} : memref<2048xi32, #tpu.memory_space<vmem>>, vector<16xi32>,
      %sub3A_163 = vector.broadcast %mul3A_2 : i32 to vector<16xi32>
      %sub3A_164 = arith.subi %get3A_162, %sub3A_163 : vector<16xi32>
      %ge3A = arith.constant 0 : i32
      %ge3A_165 = vector.broadcast %ge3A : i32 to vector<16xi32>
      %ge3A_166 = arith.cmpi sge, %sub3A_164, %ge3A_165 : vector<16xi32>
      %lt3A = arith.constant 80 : i32
      %lt3A_167 = vector.broadcast %lt3A : i32 to vector<16xi32>
      %lt3A_168 = arith.cmpi slt, %sub3A_164, %lt3A_167 : vector<16xi32>
      %and3A = arith.andi %ge3A_166, %lt3A_168 : vector<16xi1>
      %jit3A = arith.constant 0 : i32
      %broadcast_in_dim3A_169 = vector.broadcast %jit3A : i32 to vector<16xi32>
      %select_n3A = arith.select %and3A, %sub3A_164, %broadcast_in_dim3A_169 : vector<16xi1>, vector<16xi32>
      %add3A_170 = arith.constant 1 : i32
      %add3A_171 = vector.broadcast %add3A_170 : i32 to vector<16xi32>
      %add3A_172 = arith.addi %add3A_154, %add3A_171 : vector<16xi32>
      tpu.vector_store_idx %arg8[%select_n3A], %add3A_172 masked %and3A : memref<80xi32, #tpu.memory_space<vmem>>[vector<16xi32>], vector<16xi32>, vector<16xi1>
      %mul3A_173 = arith.constant 4 : i32
      %mul3A_174 = arith.muli %scan3A_146, %mul3A_173 : i32
      %add3A_175 = arith.constant 0 : i32
      %add3A_176 = arith.addi %mul3A_174, %add3A_175 : i32
      %mul3A_177 = arith.constant 16 : i32
      %mul3A_178 = arith.muli %add3A_176, %mul3A_177 : i32
      %get3A_179 = arith.index_cast %mul3A_178 : i32 to index
      %get3A_180 = tpu.vector_load %arg7[%get3A_179] {strides = array<i32>} : memref<2048xi32, #tpu.memory_space<vmem>>, vector<16xi32>,
      %sub3A_181 = vector.broadcast %mul3A_2 : i32 to vector<16xi32>
      %sub3A_182 = arith.subi %get3A_180, %sub3A_181 : vector<16xi32>
      %ge3A_183 = arith.constant 0 : i32
      %ge3A_184 = vector.broadcast %ge3A_183 : i32 to vector<16xi32>
      %ge3A_185 = arith.cmpi sge, %sub3A_182, %ge3A_184 : vector<16xi32>
      %lt3A_186 = arith.constant 80 : i32
      %lt3A_187 = vector.broadcast %lt3A_186 : i32 to vector<16xi32>
      %lt3A_188 = arith.cmpi slt, %sub3A_182, %lt3A_187 : vector<16xi32>
      %and3A_189 = arith.andi %ge3A_185, %lt3A_188 : vector<16xi1>
      %jit3A_190 = arith.constant 0 : i32
      %broadcast_in_dim3A_191 = vector.broadcast %jit3A_190 : i32 to vector<16xi32>
      %select_n3A_192 = arith.select %and3A_189, %sub3A_182, %broadcast_in_dim3A_191 : vector<16xi1>, vector<16xi32>
      %add3A_193 = arith.constant 1 : i32
      %add3A_194 = vector.broadcast %add3A_193 : i32 to vector<16xi32>
      %add3A_195 = arith.addi %add3A_154, %add3A_194 : vector<16xi32>
      tpu.vector_store_idx %arg8[%select_n3A_192], %add3A_195 masked %and3A_189 : memref<80xi32, #tpu.memory_space<vmem>>[vector<16xi32>], vector<16xi32>, vector<16xi1>
      %iota3A_196 = tpu.iota {dimensions = array<i32: 0>} : vector<16xi32>
      %mul3A_197 = arith.constant 4 : i32
      %mul3A_198 = arith.muli %scan3A_146, %mul3A_197 : i32
      %add3A_199 = arith.constant 1 : i32
      %add3A_200 = arith.addi %mul3A_198, %add3A_199 : i32
      %mul3A_201 = arith.constant 16 : i32
      %mul3A_202 = arith.muli %add3A_200, %mul3A_201 : i32
      %add3A_203 = vector.broadcast %mul3A_202 : i32 to vector<16xi32>
      %add3A_204 = arith.addi %iota3A_196, %add3A_203 : vector<16xi32>
      %mul3A_205 = arith.constant 4 : i32
      %mul3A_206 = arith.muli %scan3A_146, %mul3A_205 : i32
      %add3A_207 = arith.constant 1 : i32
      %add3A_208 = arith.addi %mul3A_206, %add3A_207 : i32
      %mul3A_209 = arith.constant 16 : i32
      %mul3A_210 = arith.muli %add3A_208, %mul3A_209 : i32
      %get3A_211 = arith.index_cast %mul3A_210 : i32 to index
      %get3A_212 = tpu.vector_load %arg6[%get3A_211] {strides = array<i32>} : memref<2048xi32, #tpu.memory_space<vmem>>, vector<16xi32>,
      %sub3A_213 = vector.broadcast %mul3A_2 : i32 to vector<16xi32>
      %sub3A_214 = arith.subi %get3A_212, %sub3A_213 : vector<16xi32>
      %ge3A_215 = arith.constant 0 : i32
      %ge3A_216 = vector.broadcast %ge3A_215 : i32 to vector<16xi32>
      %ge3A_217 = arith.cmpi sge, %sub3A_214, %ge3A_216 : vector<16xi32>
      %lt3A_218 = arith.constant 80 : i32
      %lt3A_219 = vector.broadcast %lt3A_218 : i32 to vector<16xi32>
      %lt3A_220 = arith.cmpi slt, %sub3A_214, %lt3A_219 : vector<16xi32>
      %and3A_221 = arith.andi %ge3A_217, %lt3A_220 : vector<16xi1>
      %jit3A_222 = arith.constant 0 : i32
      %broadcast_in_dim3A_223 = vector.broadcast %jit3A_222 : i32 to vector<16xi32>
      %select_n3A_224 = arith.select %and3A_221, %sub3A_214, %broadcast_in_dim3A_223 : vector<16xi1>, vector<16xi32>
      %add3A_225 = arith.constant 1 : i32
      %add3A_226 = vector.broadcast %add3A_225 : i32 to vector<16xi32>
      %add3A_227 = arith.addi %add3A_204, %add3A_226 : vector<16xi32>
      tpu.vector_store_idx %arg8[%select_n3A_224], %add3A_227 masked %and3A_221 : memref<80xi32, #tpu.memory_space<vmem>>[vector<16xi32>], vector<16xi32>, vector<16xi1>
      %mul3A_228 = arith.constant 4 : i32
      %mul3A_229 = arith.muli %scan3A_146, %mul3A_228 : i32
      %add3A_230 = arith.constant 1 : i32
      %add3A_231 = arith.addi %mul3A_229, %add3A_230 : i32
      %mul3A_232 = arith.constant 16 : i32
      %mul3A_233 = arith.muli %add3A_231, %mul3A_232 : i32
      %get3A_234 = arith.index_cast %mul3A_233 : i32 to index
      %get3A_235 = tpu.vector_load %arg7[%get3A_234] {strides = array<i32>} : memref<2048xi32, #tpu.memory_space<vmem>>, vector<16xi32>,
      %sub3A_236 = vector.broadcast %mul3A_2 : i32 to vector<16xi32>
      %sub3A_237 = arith.subi %get3A_235, %sub3A_236 : vector<16xi32>
      %ge3A_238 = arith.constant 0 : i32
      %ge3A_239 = vector.broadcast %ge3A_238 : i32 to vector<16xi32>
      %ge3A_240 = arith.cmpi sge, %sub3A_237, %ge3A_239 : vector<16xi32>
      %lt3A_241 = arith.constant 80 : i32
      %lt3A_242 = vector.broadcast %lt3A_241 : i32 to vector<16xi32>
      %lt3A_243 = arith.cmpi slt, %sub3A_237, %lt3A_242 : vector<16xi32>
      %and3A_244 = arith.andi %ge3A_240, %lt3A_243 : vector<16xi1>
      %jit3A_245 = arith.constant 0 : i32
      %broadcast_in_dim3A_246 = vector.broadcast %jit3A_245 : i32 to vector<16xi32>
      %select_n3A_247 = arith.select %and3A_244, %sub3A_237, %broadcast_in_dim3A_246 : vector<16xi1>, vector<16xi32>
      %add3A_248 = arith.constant 1 : i32
      %add3A_249 = vector.broadcast %add3A_248 : i32 to vector<16xi32>
      %add3A_250 = arith.addi %add3A_204, %add3A_249 : vector<16xi32>
      tpu.vector_store_idx %arg8[%select_n3A_247], %add3A_250 masked %and3A_244 : memref<80xi32, #tpu.memory_space<vmem>>[vector<16xi32>], vector<16xi32>, vector<16xi1>
      %iota3A_251 = tpu.iota {dimensions = array<i32: 0>} : vector<16xi32>
      %mul3A_252 = arith.constant 4 : i32
      %mul3A_253 = arith.muli %scan3A_146, %mul3A_252 : i32
      %add3A_254 = arith.constant 2 : i32
      %add3A_255 = arith.addi %mul3A_253, %add3A_254 : i32
      %mul3A_256 = arith.constant 16 : i32
      %mul3A_257 = arith.muli %add3A_255, %mul3A_256 : i32
      %add3A_258 = vector.broadcast %mul3A_257 : i32 to vector<16xi32>
      %add3A_259 = arith.addi %iota3A_251, %add3A_258 : vector<16xi32>
      %mul3A_260 = arith.constant 4 : i32
      %mul3A_261 = arith.muli %scan3A_146, %mul3A_260 : i32
      %add3A_262 = arith.constant 2 : i32
      %add3A_263 = arith.addi %mul3A_261, %add3A_262 : i32
      %mul3A_264 = arith.constant 16 : i32
      %mul3A_265 = arith.muli %add3A_263, %mul3A_264 : i32
      %get3A_266 = arith.index_cast %mul3A_265 : i32 to index
      %get3A_267 = tpu.vector_load %arg6[%get3A_266] {strides = array<i32>} : memref<2048xi32, #tpu.memory_space<vmem>>, vector<16xi32>,
      %sub3A_268 = vector.broadcast %mul3A_2 : i32 to vector<16xi32>
      %sub3A_269 = arith.subi %get3A_267, %sub3A_268 : vector<16xi32>
      %ge3A_270 = arith.constant 0 : i32
      %ge3A_271 = vector.broadcast %ge3A_270 : i32 to vector<16xi32>
      %ge3A_272 = arith.cmpi sge, %sub3A_269, %ge3A_271 : vector<16xi32>
      %lt3A_273 = arith.constant 80 : i32
      %lt3A_274 = vector.broadcast %lt3A_273 : i32 to vector<16xi32>
      %lt3A_275 = arith.cmpi slt, %sub3A_269, %lt3A_274 : vector<16xi32>
      %and3A_276 = arith.andi %ge3A_272, %lt3A_275 : vector<16xi1>
      %jit3A_277 = arith.constant 0 : i32
      %broadcast_in_dim3A_278 = vector.broadcast %jit3A_277 : i32 to vector<16xi32>
      %select_n3A_279 = arith.select %and3A_276, %sub3A_269, %broadcast_in_dim3A_278 : vector<16xi1>, vector<16xi32>
      %add3A_280 = arith.constant 1 : i32
      %add3A_281 = vector.broadcast %add3A_280 : i32 to vector<16xi32>
      %add3A_282 = arith.addi %add3A_259, %add3A_281 : vector<16xi32>
      tpu.vector_store_idx %arg8[%select_n3A_279], %add3A_282 masked %and3A_276 : memref<80xi32, #tpu.memory_space<vmem>>[vector<16xi32>], vector<16xi32>, vector<16xi1>
      %mul3A_283 = arith.constant 4 : i32
      %mul3A_284 = arith.muli %scan3A_146, %mul3A_283 : i32
      %add3A_285 = arith.constant 2 : i32
      %add3A_286 = arith.addi %mul3A_284, %add3A_285 : i32
      %mul3A_287 = arith.constant 16 : i32
      %mul3A_288 = arith.muli %add3A_286, %mul3A_287 : i32
      %get3A_289 = arith.index_cast %mul3A_288 : i32 to index
      %get3A_290 = tpu.vector_load %arg7[%get3A_289] {strides = array<i32>} : memref<2048xi32, #tpu.memory_space<vmem>>, vector<16xi32>,
      %sub3A_291 = vector.broadcast %mul3A_2 : i32 to vector<16xi32>
      %sub3A_292 = arith.subi %get3A_290, %sub3A_291 : vector<16xi32>
      %ge3A_293 = arith.constant 0 : i32
      %ge3A_294 = vector.broadcast %ge3A_293 : i32 to vector<16xi32>
      %ge3A_295 = arith.cmpi sge, %sub3A_292, %ge3A_294 : vector<16xi32>
      %lt3A_296 = arith.constant 80 : i32
      %lt3A_297 = vector.broadcast %lt3A_296 : i32 to vector<16xi32>
      %lt3A_298 = arith.cmpi slt, %sub3A_292, %lt3A_297 : vector<16xi32>
      %and3A_299 = arith.andi %ge3A_295, %lt3A_298 : vector<16xi1>
      %jit3A_300 = arith.constant 0 : i32
      %broadcast_in_dim3A_301 = vector.broadcast %jit3A_300 : i32 to vector<16xi32>
      %select_n3A_302 = arith.select %and3A_299, %sub3A_292, %broadcast_in_dim3A_301 : vector<16xi1>, vector<16xi32>
      %add3A_303 = arith.constant 1 : i32
      %add3A_304 = vector.broadcast %add3A_303 : i32 to vector<16xi32>
      %add3A_305 = arith.addi %add3A_259, %add3A_304 : vector<16xi32>
      tpu.vector_store_idx %arg8[%select_n3A_302], %add3A_305 masked %and3A_299 : memref<80xi32, #tpu.memory_space<vmem>>[vector<16xi32>], vector<16xi32>, vector<16xi1>
      %iota3A_306 = tpu.iota {dimensions = array<i32: 0>} : vector<16xi32>
      %mul3A_307 = arith.constant 4 : i32
      %mul3A_308 = arith.muli %scan3A_146, %mul3A_307 : i32
      %add3A_309 = arith.constant 3 : i32
      %add3A_310 = arith.addi %mul3A_308, %add3A_309 : i32
      %mul3A_311 = arith.constant 16 : i32
      %mul3A_312 = arith.muli %add3A_310, %mul3A_311 : i32
      %add3A_313 = vector.broadcast %mul3A_312 : i32 to vector<16xi32>
      %add3A_314 = arith.addi %iota3A_306, %add3A_313 : vector<16xi32>
      %mul3A_315 = arith.constant 4 : i32
      %mul3A_316 = arith.muli %scan3A_146, %mul3A_315 : i32
      %add3A_317 = arith.constant 3 : i32
      %add3A_318 = arith.addi %mul3A_316, %add3A_317 : i32
      %mul3A_319 = arith.constant 16 : i32
      %mul3A_320 = arith.muli %add3A_318, %mul3A_319 : i32
      %get3A_321 = arith.index_cast %mul3A_320 : i32 to index
      %get3A_322 = tpu.vector_load %arg6[%get3A_321] {strides = array<i32>} : memref<2048xi32, #tpu.memory_space<vmem>>, vector<16xi32>,
      %sub3A_323 = vector.broadcast %mul3A_2 : i32 to vector<16xi32>
      %sub3A_324 = arith.subi %get3A_322, %sub3A_323 : vector<16xi32>
      %ge3A_325 = arith.constant 0 : i32
      %ge3A_326 = vector.broadcast %ge3A_325 : i32 to vector<16xi32>
      %ge3A_327 = arith.cmpi sge, %sub3A_324, %ge3A_326 : vector<16xi32>
      %lt3A_328 = arith.constant 80 : i32
      %lt3A_329 = vector.broadcast %lt3A_328 : i32 to vector<16xi32>
      %lt3A_330 = arith.cmpi slt, %sub3A_324, %lt3A_329 : vector<16xi32>
      %and3A_331 = arith.andi %ge3A_327, %lt3A_330 : vector<16xi1>
      %jit3A_332 = arith.constant 0 : i32
      %broadcast_in_dim3A_333 = vector.broadcast %jit3A_332 : i32 to vector<16xi32>
      %select_n3A_334 = arith.select %and3A_331, %sub3A_324, %broadcast_in_dim3A_333 : vector<16xi1>, vector<16xi32>
      %add3A_335 = arith.constant 1 : i32
      %add3A_336 = vector.broadcast %add3A_335 : i32 to vector<16xi32>
      %add3A_337 = arith.addi %add3A_314, %add3A_336 : vector<16xi32>
      tpu.vector_store_idx %arg8[%select_n3A_334], %add3A_337 masked %and3A_331 : memref<80xi32, #tpu.memory_space<vmem>>[vector<16xi32>], vector<16xi32>, vector<16xi1>
      %mul3A_338 = arith.constant 4 : i32
      %mul3A_339 = arith.muli %scan3A_146, %mul3A_338 : i32
      %add3A_340 = arith.constant 3 : i32
      %add3A_341 = arith.addi %mul3A_339, %add3A_340 : i32
      %mul3A_342 = arith.constant 16 : i32
      %mul3A_343 = arith.muli %add3A_341, %mul3A_342 : i32
      %get3A_344 = arith.index_cast %mul3A_343 : i32 to index
      %get3A_345 = tpu.vector_load %arg7[%get3A_344] {strides = array<i32>} : memref<2048xi32, #tpu.memory_space<vmem>>, vector<16xi32>,
      %sub3A_346 = vector.broadcast %mul3A_2 : i32 to vector<16xi32>
      %sub3A_347 = arith.subi %get3A_345, %sub3A_346 : vector<16xi32>
      %ge3A_348 = arith.constant 0 : i32
      %ge3A_349 = vector.broadcast %ge3A_348 : i32 to vector<16xi32>
      %ge3A_350 = arith.cmpi sge, %sub3A_347, %ge3A_349 : vector<16xi32>
      %lt3A_351 = arith.constant 80 : i32
      %lt3A_352 = vector.broadcast %lt3A_351 : i32 to vector<16xi32>
      %lt3A_353 = arith.cmpi slt, %sub3A_347, %lt3A_352 : vector<16xi32>
      %and3A_354 = arith.andi %ge3A_350, %lt3A_353 : vector<16xi1>
      %jit3A_355 = arith.constant 0 : i32
      %broadcast_in_dim3A_356 = vector.broadcast %jit3A_355 : i32 to vector<16xi32>
      %select_n3A_357 = arith.select %and3A_354, %sub3A_347, %broadcast_in_dim3A_356 : vector<16xi1>, vector<16xi32>
      %add3A_358 = arith.constant 1 : i32
      %add3A_359 = vector.broadcast %add3A_358 : i32 to vector<16xi32>
      %add3A_360 = arith.addi %add3A_314, %add3A_359 : vector<16xi32>
      tpu.vector_store_idx %arg8[%select_n3A_357], %add3A_360 masked %and3A_354 : memref<80xi32, #tpu.memory_space<vmem>>[vector<16xi32>], vector<16xi32>, vector<16xi1>
    }
    %scan3A_20 = arith.constant 32 : i32
    %get3A = arith.constant 0 : index
    %get3A_21 = tpu.vector_load %arg8[%get3A] {strides = array<i32>} : memref<80xi32, #tpu.memory_space<vmem>>, vector<16xi32>,
    %sub3A = arith.constant 1 : i32
    %sub3A_22 = vector.broadcast %sub3A : i32 to vector<16xi32>
    %sub3A_23 = arith.subi %get3A_21, %sub3A_22 : vector<16xi32>
    %max3A = arith.constant 0 : i32
    %max3A_24 = vector.broadcast %max3A : i32 to vector<16xi32>
    %max3A_25 = arith.maxsi %sub3A_23, %max3A_24 : vector<16xi32>
    %swap3A_26 = arith.constant 0 : index
    %swap3A_27 = tpu.vector_load %arg9[%swap3A_26] {strides = array<i32>} : memref<16xi32, #tpu.memory_space<vmem>>, vector<16xi32>,
    tpu.vector_store %arg9[%swap3A_26], %max3A_25 {strides = array<i32>} : memref<16xi32, #tpu.memory_space<vmem>>, vector<16xi32>,
    %dma_start3A = arith.constant 0 : i32
    %dma_start3A_28 = arith.constant 0 : i32
    %dma_start3A_29 = tpu.memref_slice %arg3[%dma_start3A, %dma_start3A_28] : memref<2048x1024xf32, #tpu.memory_space<hbm>> -> memref<2048x1024xf32, #tpu.memory_space<hbm>>
    tpu.enqueue_indirect_dma source(%dma_start3A_29 : memref<2048x1024xf32, #tpu.memory_space<hbm>>) target(%arg14 : memref<16x1024xf32, #tpu.memory_space<vmem>>) offsets(%arg9 : memref<16xi32, #tpu.memory_space<vmem>>) semaphore(%arg19 : memref<!tpu.dma_semaphore, #tpu.memory_space<semaphore_mem>>)
    %get3A_30 = arith.constant 16 : index
    %get3A_31 = tpu.vector_load %arg8[%get3A_30] {strides = array<i32>} : memref<80xi32, #tpu.memory_space<vmem>>, vector<16xi32>,
    %sub3A_32 = arith.constant 1 : i32
    %sub3A_33 = vector.broadcast %sub3A_32 : i32 to vector<16xi32>
    %sub3A_34 = arith.subi %get3A_31, %sub3A_33 : vector<16xi32>
    %max3A_35 = arith.constant 0 : i32
    %max3A_36 = vector.broadcast %max3A_35 : i32 to vector<16xi32>
    %max3A_37 = arith.maxsi %sub3A_34, %max3A_36 : vector<16xi32>
    %swap3A_38 = arith.constant 0 : index
    %swap3A_39 = tpu.vector_load %arg10[%swap3A_38] {strides = array<i32>} : memref<16xi32, #tpu.memory_space<vmem>>, vector<16xi32>,
    tpu.vector_store %arg10[%swap3A_38], %max3A_37 {strides = array<i32>} : memref<16xi32, #tpu.memory_space<vmem>>, vector<16xi32>,
    %dma_start3A_40 = arith.constant 0 : i32
    %dma_start3A_41 = arith.constant 0 : i32
    %dma_start3A_42 = tpu.memref_slice %arg3[%dma_start3A_40, %dma_start3A_41] : memref<2048x1024xf32, #tpu.memory_space<hbm>> -> memref<2048x1024xf32, #tpu.memory_space<hbm>>
    tpu.enqueue_indirect_dma source(%dma_start3A_42 : memref<2048x1024xf32, #tpu.memory_space<hbm>>) target(%arg15 : memref<16x1024xf32, #tpu.memory_space<vmem>>) offsets(%arg10 : memref<16xi32, #tpu.memory_space<vmem>>) semaphore(%arg20 : memref<!tpu.dma_semaphore, #tpu.memory_space<semaphore_mem>>)
    %get3A_43 = arith.constant 32 : index
    %get3A_44 = tpu.vector_load %arg8[%get3A_43] {strides = array<i32>} : memref<80xi32, #tpu.memory_space<vmem>>, vector<16xi32>,
    %sub3A_45 = arith.constant 1 : i32
    %sub3A_46 = vector.broadcast %sub3A_45 : i32 to vector<16xi32>
    %sub3A_47 = arith.subi %get3A_44, %sub3A_46 : vector<16xi32>
    %max3A_48 = arith.constant 0 : i32
    %max3A_49 = vector.broadcast %max3A_48 : i32 to vector<16xi32>
    %max3A_50 = arith.maxsi %sub3A_47, %max3A_49 : vector<16xi32>
    %swap3A_51 = arith.constant 0 : index
    %swap3A_52 = tpu.vector_load %arg11[%swap3A_51] {strides = array<i32>} : memref<16xi32, #tpu.memory_space<vmem>>, vector<16xi32>,
    tpu.vector_store %arg11[%swap3A_51], %max3A_50 {strides = array<i32>} : memref<16xi32, #tpu.memory_space<vmem>>, vector<16xi32>,
    %dma_start3A_53 = arith.constant 0 : i32
    %dma_start3A_54 = arith.constant 0 : i32
    %dma_start3A_55 = tpu.memref_slice %arg3[%dma_start3A_53, %dma_start3A_54] : memref<2048x1024xf32, #tpu.memory_space<hbm>> -> memref<2048x1024xf32, #tpu.memory_space<hbm>>
    tpu.enqueue_indirect_dma source(%dma_start3A_55 : memref<2048x1024xf32, #tpu.memory_space<hbm>>) target(%arg16 : memref<16x1024xf32, #tpu.memory_space<vmem>>) offsets(%arg11 : memref<16xi32, #tpu.memory_space<vmem>>) semaphore(%arg21 : memref<!tpu.dma_semaphore, #tpu.memory_space<semaphore_mem>>)
    %get3A_56 = arith.constant 48 : index
    %get3A_57 = tpu.vector_load %arg8[%get3A_56] {strides = array<i32>} : memref<80xi32, #tpu.memory_space<vmem>>, vector<16xi32>,
    %sub3A_58 = arith.constant 1 : i32
    %sub3A_59 = vector.broadcast %sub3A_58 : i32 to vector<16xi32>
    %sub3A_60 = arith.subi %get3A_57, %sub3A_59 : vector<16xi32>
    %max3A_61 = arith.constant 0 : i32
    %max3A_62 = vector.broadcast %max3A_61 : i32 to vector<16xi32>
    %max3A_63 = arith.maxsi %sub3A_60, %max3A_62 : vector<16xi32>
    %swap3A_64 = arith.constant 0 : index
    %swap3A_65 = tpu.vector_load %arg12[%swap3A_64] {strides = array<i32>} : memref<16xi32, #tpu.memory_space<vmem>>, vector<16xi32>,
    tpu.vector_store %arg12[%swap3A_64], %max3A_63 {strides = array<i32>} : memref<16xi32, #tpu.memory_space<vmem>>, vector<16xi32>,
    %dma_start3A_66 = arith.constant 0 : i32
    %dma_start3A_67 = arith.constant 0 : i32
    %dma_start3A_68 = tpu.memref_slice %arg3[%dma_start3A_66, %dma_start3A_67] : memref<2048x1024xf32, #tpu.memory_space<hbm>> -> memref<2048x1024xf32, #tpu.memory_space<hbm>>
    tpu.enqueue_indirect_dma source(%dma_start3A_68 : memref<2048x1024xf32, #tpu.memory_space<hbm>>) target(%arg17 : memref<16x1024xf32, #tpu.memory_space<vmem>>) offsets(%arg12 : memref<16xi32, #tpu.memory_space<vmem>>) semaphore(%arg22 : memref<!tpu.dma_semaphore, #tpu.memory_space<semaphore_mem>>)
    %get3A_69 = arith.constant 64 : index
    %get3A_70 = tpu.vector_load %arg8[%get3A_69] {strides = array<i32>} : memref<80xi32, #tpu.memory_space<vmem>>, vector<16xi32>,
    %sub3A_71 = arith.constant 1 : i32
    %sub3A_72 = vector.broadcast %sub3A_71 : i32 to vector<16xi32>
    %sub3A_73 = arith.subi %get3A_70, %sub3A_72 : vector<16xi32>
    %max3A_74 = arith.constant 0 : i32
    %max3A_75 = vector.broadcast %max3A_74 : i32 to vector<16xi32>
    %max3A_76 = arith.maxsi %sub3A_73, %max3A_75 : vector<16xi32>
    %swap3A_77 = arith.constant 0 : index
    %swap3A_78 = tpu.vector_load %arg13[%swap3A_77] {strides = array<i32>} : memref<16xi32, #tpu.memory_space<vmem>>, vector<16xi32>,
    tpu.vector_store %arg13[%swap3A_77], %max3A_76 {strides = array<i32>} : memref<16xi32, #tpu.memory_space<vmem>>, vector<16xi32>,
    %dma_start3A_79 = arith.constant 0 : i32
    %dma_start3A_80 = arith.constant 0 : i32
    %dma_start3A_81 = tpu.memref_slice %arg3[%dma_start3A_79, %dma_start3A_80] : memref<2048x1024xf32, #tpu.memory_space<hbm>> -> memref<2048x1024xf32, #tpu.memory_space<hbm>>
    tpu.enqueue_indirect_dma source(%dma_start3A_81 : memref<2048x1024xf32, #tpu.memory_space<hbm>>) target(%arg18 : memref<16x1024xf32, #tpu.memory_space<vmem>>) offsets(%arg13 : memref<16xi32, #tpu.memory_space<vmem>>) semaphore(%arg23 : memref<!tpu.dma_semaphore, #tpu.memory_space<semaphore_mem>>)
    %dma_wait3A = arith.constant 0 : i32
    %dma_wait3A_82 = arith.constant 0 : i32
    %dma_wait3A_83 = tpu.memref_slice %arg3[%dma_wait3A, %dma_wait3A_82] : memref<2048x1024xf32, #tpu.memory_space<hbm>> -> memref<2048x1024xf32, #tpu.memory_space<hbm>>
    tpu.wait_indirect_dma semaphore(%arg19 : memref<!tpu.dma_semaphore, #tpu.memory_space<semaphore_mem>>) src(%dma_wait3A_83 : memref<2048x1024xf32, #tpu.memory_space<hbm>>) dst(%arg14 : memref<16x1024xf32, #tpu.memory_space<vmem>>)
    %add3A_84 = arith.constant 0 : i32
    %add3A_85 = arith.addi %mul3A_2, %add3A_84 : i32
    %dma_start3A_86 = arith.constant 0 : i32
    %dma_start3A_87 = tpu.memref_slice %arg4[%add3A_85, %dma_start3A_86] : memref<2560x1024xf32, #tpu.memory_space<hbm>> -> memref<16x1024xf32, #tpu.memory_space<hbm>>
    %dma_start3A_88 = arith.constant 0 : i32
    %dma_start3A_89 = tpu.memref_slice %arg4[%add3A_85, %dma_start3A_88] : memref<2560x1024xf32, #tpu.memory_space<hbm>> -> memref<16x1024xf32, #tpu.memory_space<hbm>>
    tpu.enqueue_dma source(%arg14 : memref<16x1024xf32, #tpu.memory_space<vmem>>) target(%dma_start3A_89 : memref<16x1024xf32, #tpu.memory_space<hbm>>) target_semaphore(%arg24 : memref<!tpu.dma_semaphore, #tpu.memory_space<semaphore_mem>>)
    %dma_wait3A_90 = arith.constant 0 : i32
    %dma_wait3A_91 = arith.constant 0 : i32
    %dma_wait3A_92 = tpu.memref_slice %arg3[%dma_wait3A_90, %dma_wait3A_91] : memref<2048x1024xf32, #tpu.memory_space<hbm>> -> memref<2048x1024xf32, #tpu.memory_space<hbm>>
    tpu.wait_indirect_dma semaphore(%arg20 : memref<!tpu.dma_semaphore, #tpu.memory_space<semaphore_mem>>) src(%dma_wait3A_92 : memref<2048x1024xf32, #tpu.memory_space<hbm>>) dst(%arg15 : memref<16x1024xf32, #tpu.memory_space<vmem>>)
    %add3A_93 = arith.constant 16 : i32
    %add3A_94 = arith.addi %mul3A_2, %add3A_93 : i32
    %dma_start3A_95 = arith.constant 0 : i32
    %dma_start3A_96 = tpu.memref_slice %arg4[%add3A_94, %dma_start3A_95] : memref<2560x1024xf32, #tpu.memory_space<hbm>> -> memref<16x1024xf32, #tpu.memory_space<hbm>>
    %dma_start3A_97 = arith.constant 0 : i32
    %dma_start3A_98 = tpu.memref_slice %arg4[%add3A_94, %dma_start3A_97] : memref<2560x1024xf32, #tpu.memory_space<hbm>> -> memref<16x1024xf32, #tpu.memory_space<hbm>>
    tpu.enqueue_dma source(%arg15 : memref<16x1024xf32, #tpu.memory_space<vmem>>) target(%dma_start3A_98 : memref<16x1024xf32, #tpu.memory_space<hbm>>) target_semaphore(%arg24 : memref<!tpu.dma_semaphore, #tpu.memory_space<semaphore_mem>>)
    %dma_wait3A_99 = arith.constant 0 : i32
    %dma_wait3A_100 = arith.constant 0 : i32
    %dma_wait3A_101 = tpu.memref_slice %arg3[%dma_wait3A_99, %dma_wait3A_100] : memref<2048x1024xf32, #tpu.memory_space<hbm>> -> memref<2048x1024xf32, #tpu.memory_space<hbm>>
    tpu.wait_indirect_dma semaphore(%arg21 : memref<!tpu.dma_semaphore, #tpu.memory_space<semaphore_mem>>) src(%dma_wait3A_101 : memref<2048x1024xf32, #tpu.memory_space<hbm>>) dst(%arg16 : memref<16x1024xf32, #tpu.memory_space<vmem>>)
    %add3A_102 = arith.constant 32 : i32
    %add3A_103 = arith.addi %mul3A_2, %add3A_102 : i32
    %dma_start3A_104 = arith.constant 0 : i32
    %dma_start3A_105 = tpu.memref_slice %arg4[%add3A_103, %dma_start3A_104] : memref<2560x1024xf32, #tpu.memory_space<hbm>> -> memref<16x1024xf32, #tpu.memory_space<hbm>>
    %dma_start3A_106 = arith.constant 0 : i32
    %dma_start3A_107 = tpu.memref_slice %arg4[%add3A_103, %dma_start3A_106] : memref<2560x1024xf32, #tpu.memory_space<hbm>> -> memref<16x1024xf32, #tpu.memory_space<hbm>>
    tpu.enqueue_dma source(%arg16 : memref<16x1024xf32, #tpu.memory_space<vmem>>) target(%dma_start3A_107 : memref<16x1024xf32, #tpu.memory_space<hbm>>) target_semaphore(%arg24 : memref<!tpu.dma_semaphore, #tpu.memory_space<semaphore_mem>>)
    %dma_wait3A_108 = arith.constant 0 : i32
    %dma_wait3A_109 = arith.constant 0 : i32
    %dma_wait3A_110 = tpu.memref_slice %arg3[%dma_wait3A_108, %dma_wait3A_109] : memref<2048x1024xf32, #tpu.memory_space<hbm>> -> memref<2048x1024xf32, #tpu.memory_space<hbm>>
    tpu.wait_indirect_dma semaphore(%arg22 : memref<!tpu.dma_semaphore, #tpu.memory_space<semaphore_mem>>) src(%dma_wait3A_110 : memref<2048x1024xf32, #tpu.memory_space<hbm>>) dst(%arg17 : memref<16x1024xf32, #tpu.memory_space<vmem>>)
    %add3A_111 = arith.constant 48 : i32
    %add3A_112 = arith.addi %mul3A_2, %add3A_111 : i32
    %dma_start3A_113 = arith.constant 0 : i32
    %dma_start3A_114 = tpu.memref_slice %arg4[%add3A_112, %dma_start3A_113] : memref<2560x1024xf32, #tpu.memory_space<hbm>> -> memref<16x1024xf32, #tpu.memory_space<hbm>>
    %dma_start3A_115 = arith.constant 0 : i32
    %dma_start3A_116 = tpu.memref_slice %arg4[%add3A_112, %dma_start3A_115] : memref<2560x1024xf32, #tpu.memory_space<hbm>> -> memref<16x1024xf32, #tpu.memory_space<hbm>>
    tpu.enqueue_dma source(%arg17 : memref<16x1024xf32, #tpu.memory_space<vmem>>) target(%dma_start3A_116 : memref<16x1024xf32, #tpu.memory_space<hbm>>) target_semaphore(%arg24 : memref<!tpu.dma_semaphore, #tpu.memory_space<semaphore_mem>>)
    %dma_wait3A_117 = arith.constant 0 : i32
    %dma_wait3A_118 = arith.constant 0 : i32
    %dma_wait3A_119 = tpu.memref_slice %arg3[%dma_wait3A_117, %dma_wait3A_118] : memref<2048x1024xf32, #tpu.memory_space<hbm>> -> memref<2048x1024xf32, #tpu.memory_space<hbm>>
    tpu.wait_indirect_dma semaphore(%arg23 : memref<!tpu.dma_semaphore, #tpu.memory_space<semaphore_mem>>) src(%dma_wait3A_119 : memref<2048x1024xf32, #tpu.memory_space<hbm>>) dst(%arg18 : memref<16x1024xf32, #tpu.memory_space<vmem>>)
    %add3A_120 = arith.constant 64 : i32
    %add3A_121 = arith.addi %mul3A_2, %add3A_120 : i32
    %dma_start3A_122 = arith.constant 0 : i32
    %dma_start3A_123 = tpu.memref_slice %arg4[%add3A_121, %dma_start3A_122] : memref<2560x1024xf32, #tpu.memory_space<hbm>> -> memref<16x1024xf32, #tpu.memory_space<hbm>>
    %dma_start3A_124 = arith.constant 0 : i32
    %dma_start3A_125 = tpu.memref_slice %arg4[%add3A_121, %dma_start3A_124] : memref<2560x1024xf32, #tpu.memory_space<hbm>> -> memref<16x1024xf32, #tpu.memory_space<hbm>>
    tpu.enqueue_dma source(%arg18 : memref<16x1024xf32, #tpu.memory_space<vmem>>) target(%dma_start3A_125 : memref<16x1024xf32, #tpu.memory_space<hbm>>) target_semaphore(%arg24 : memref<!tpu.dma_semaphore, #tpu.memory_space<semaphore_mem>>)
    %dma_wait3A_126 = arith.constant 0 : i32
    %dma_wait3A_127 = tpu.memref_slice %arg4[%add3A_85, %dma_wait3A_126] : memref<2560x1024xf32, #tpu.memory_space<hbm>> -> memref<16x1024xf32, #tpu.memory_space<hbm>>
    %dma_wait3A_128 = arith.constant 0 : i32
    %dma_wait3A_129 = tpu.memref_slice %arg4[%add3A_85, %dma_wait3A_128] : memref<2560x1024xf32, #tpu.memory_space<hbm>> -> memref<16x1024xf32, #tpu.memory_space<hbm>>
    tpu.wait_dma2 semaphore(%arg24 : memref<!tpu.dma_semaphore, #tpu.memory_space<semaphore_mem>>) src(%arg14 : memref<16x1024xf32, #tpu.memory_space<vmem>>) dst(%dma_wait3A_129 : memref<16x1024xf32, #tpu.memory_space<hbm>>)
    %dma_wait3A_130 = arith.constant 0 : i32
    %dma_wait3A_131 = tpu.memref_slice %arg4[%add3A_94, %dma_wait3A_130] : memref<2560x1024xf32, #tpu.memory_space<hbm>> -> memref<16x1024xf32, #tpu.memory_space<hbm>>
    %dma_wait3A_132 = arith.constant 0 : i32
    %dma_wait3A_133 = tpu.memref_slice %arg4[%add3A_94, %dma_wait3A_132] : memref<2560x1024xf32, #tpu.memory_space<hbm>> -> memref<16x1024xf32, #tpu.memory_space<hbm>>
    tpu.wait_dma2 semaphore(%arg24 : memref<!tpu.dma_semaphore, #tpu.memory_space<semaphore_mem>>) src(%arg15 : memref<16x1024xf32, #tpu.memory_space<vmem>>) dst(%dma_wait3A_133 : memref<16x1024xf32, #tpu.memory_space<hbm>>)
    %dma_wait3A_134 = arith.constant 0 : i32
    %dma_wait3A_135 = tpu.memref_slice %arg4[%add3A_103, %dma_wait3A_134] : memref<2560x1024xf32, #tpu.memory_space<hbm>> -> memref<16x1024xf32, #tpu.memory_space<hbm>>
    %dma_wait3A_136 = arith.constant 0 : i32
    %dma_wait3A_137 = tpu.memref_slice %arg4[%add3A_103, %dma_wait3A_136] : memref<2560x1024xf32, #tpu.memory_space<hbm>> -> memref<16x1024xf32, #tpu.memory_space<hbm>>
    tpu.wait_dma2 semaphore(%arg24 : memref<!tpu.dma_semaphore, #tpu.memory_space<semaphore_mem>>) src(%arg16 : memref<16x1024xf32, #tpu.memory_space<vmem>>) dst(%dma_wait3A_137 : memref<16x1024xf32, #tpu.memory_space<hbm>>)
    %dma_wait3A_138 = arith.constant 0 : i32
    %dma_wait3A_139 = tpu.memref_slice %arg4[%add3A_112, %dma_wait3A_138] : memref<2560x1024xf32, #tpu.memory_space<hbm>> -> memref<16x1024xf32, #tpu.memory_space<hbm>>
    %dma_wait3A_140 = arith.constant 0 : i32
    %dma_wait3A_141 = tpu.memref_slice %arg4[%add3A_112, %dma_wait3A_140] : memref<2560x1024xf32, #tpu.memory_space<hbm>> -> memref<16x1024xf32, #tpu.memory_space<hbm>>
    tpu.wait_dma2 semaphore(%arg24 : memref<!tpu.dma_semaphore, #tpu.memory_space<semaphore_mem>>) src(%arg17 : memref<16x1024xf32, #tpu.memory_space<vmem>>) dst(%dma_wait3A_141 : memref<16x1024xf32, #tpu.memory_space<hbm>>)
    %dma_wait3A_142 = arith.constant 0 : i32
    %dma_wait3A_143 = tpu.memref_slice %arg4[%add3A_121, %dma_wait3A_142] : memref<2560x1024xf32, #tpu.memory_space<hbm>> -> memref<16x1024xf32, #tpu.memory_space<hbm>>
    %dma_wait3A_144 = arith.constant 0 : i32
    %dma_wait3A_145 = tpu.memref_slice %arg4[%add3A_121, %dma_wait3A_144] : memref<2560x1024xf32, #tpu.memory_space<hbm>> -> memref<16x1024xf32, #tpu.memory_space<hbm>>
    tpu.wait_dma2 semaphore(%arg24 : memref<!tpu.dma_semaphore, #tpu.memory_space<semaphore_mem>>) src(%arg18 : memref<16x1024xf32, #tpu.memory_space<vmem>>) dst(%dma_wait3A_145 : memref<16x1024xf32, #tpu.memory_space<hbm>>)
    "tpu.region"() ({
      %run_scoped3A_146 = tpu.sem_alloc : memref<!tpu.dma_semaphore, #tpu.memory_space<semaphore_mem>>
      %dma_start3A_147 = arith.constant 0 : i32
      %dma_start3A_148 = tpu.memref_slice %arg5[%add3A, %dma_start3A_147] : memref<32x80xi32, #tpu.memory_space<hbm>> -> memref<1x80xi32, #tpu.memory_space<hbm>>
      %dma_start3A_149 = tpu.memref_squeeze %dma_start3A_148 : memref<1x80xi32, #tpu.memory_space<hbm>> -> memref<80xi32, #tpu.memory_space<hbm>>
      %dma_start3A_150 = arith.constant 0 : i32
      %dma_start3A_151 = tpu.memref_slice %arg5[%add3A, %dma_start3A_150] : memref<32x80xi32, #tpu.memory_space<hbm>> -> memref<1x80xi32, #tpu.memory_space<hbm>>
      %dma_start3A_152 = tpu.memref_squeeze %dma_start3A_151 : memref<1x80xi32, #tpu.memory_space<hbm>> -> memref<80xi32, #tpu.memory_space<hbm>>
      tpu.enqueue_dma source(%arg8 : memref<80xi32, #tpu.memory_space<vmem>>) target(%dma_start3A_152 : memref<80xi32, #tpu.memory_space<hbm>>) target_semaphore(%run_scoped3A_146 : memref<!tpu.dma_semaphore, #tpu.memory_space<semaphore_mem>>)
      %dma_wait3A_153 = arith.constant 0 : i32
      %dma_wait3A_154 = tpu.memref_slice %arg5[%add3A, %dma_wait3A_153] : memref<32x80xi32, #tpu.memory_space<hbm>> -> memref<1x80xi32, #tpu.memory_space<hbm>>
      %dma_wait3A_155 = tpu.memref_squeeze %dma_wait3A_154 : memref<1x80xi32, #tpu.memory_space<hbm>> -> memref<80xi32, #tpu.memory_space<hbm>>
      %dma_wait3A_156 = arith.constant 0 : i32
      %dma_wait3A_157 = tpu.memref_slice %arg5[%add3A, %dma_wait3A_156] : memref<32x80xi32, #tpu.memory_space<hbm>> -> memref<1x80xi32, #tpu.memory_space<hbm>>
      %dma_wait3A_158 = tpu.memref_squeeze %dma_wait3A_157 : memref<1x80xi32, #tpu.memory_space<hbm>> -> memref<80xi32, #tpu.memory_space<hbm>>
      tpu.wait_dma2 semaphore(%run_scoped3A_146 : memref<!tpu.dma_semaphore, #tpu.memory_space<semaphore_mem>>) src(%arg8 : memref<80xi32, #tpu.memory_space<vmem>>) dst(%dma_wait3A_158 : memref<80xi32, #tpu.memory_space<hbm>>)
      tpu.yield
    }) : () -> ()
    return
  }
}

module attributes {stable_mosaic.version = 14 : i64} {
  func.func @_routing_kernel(%arg0: memref<2048x1024xf32, #tpu.memory_space<vmem>>, %arg1: memref<8x1024xf32, #tpu.memory_space<vmem>>, %arg2: memref<2x1x2048xi32, #tpu.memory_space<vmem>>) attributes {dimension_semantics = [], scalar_prefetch = 0 : i64, scratch_operands = 0 : i64, tpu.core_type = #tpu.core_type<tc>} {
    %get3A = arith.constant 0 : index
    %get3A_0 = arith.constant 0 : index
    %get3A_1 = vector.load %arg1[%get3A, %get3A_0] : memref<8x1024xf32, #tpu.memory_space<vmem>>, vector<8x1024xf32>
    %get3A_2 = arith.constant 0 : index
    %get3A_3 = arith.constant 0 : index
    %get3A_4 = vector.load %arg0[%get3A_2, %get3A_3] : memref<2048x1024xf32, #tpu.memory_space<vmem>>, vector<2048x1024xf32>
    %dot_general3A = arith.constant dense<0.000000e+00> : vector<8x2048xf32>
    %dot_general3A_5 = tpu.matmul %get3A_1, %get3A_4, %dot_general3A {dimension_numbers = #tpu.dot_dimension_numbers<[1], [1], [0], [0], [0, 0, 1, 0], [], []>, transpose_lhs_hint = false} : vector<8x1024xf32>, vector<2048x1024xf32>, vector<8x2048xf32> -> vector<8x2048xf32>
    %iota3A = tpu.iota {dimensions = array<i32: 0>} : vector<8x2048xi32>
    %reduce_max3A = arith.constant dense<0xFF800000> : vector<2048xf32>
    %reduce_max3A_6 = vector.multi_reduction <maximumf>, %dot_general3A_5, %reduce_max3A [0] : vector<8x2048xf32> to vector<2048xf32>
    %broadcast_in_dim3A = vector.shape_cast %reduce_max3A_6 : vector<2048xf32> to vector<1x2048xf32>
    %eq3A = vector.broadcast %broadcast_in_dim3A : vector<1x2048xf32> to vector<8x2048xf32>
    %eq3A_7 = arith.cmpf oeq, %dot_general3A_5, %eq3A : vector<8x2048xf32>
    %jit3A = arith.constant 8 : i32
    %broadcast_in_dim3A_8 = vector.broadcast %jit3A : i32 to vector<8x2048xi32>
    %select_n3A = arith.select %eq3A_7, %iota3A, %broadcast_in_dim3A_8 : vector<8x2048xi1>, vector<8x2048xi32>
    %reduce_min3A = arith.constant dense<2147483647> : vector<2048xi32>
    %reduce_min3A_9 = vector.multi_reduction <minsi>, %select_n3A, %reduce_min3A [0] : vector<8x2048xi32> to vector<2048xi32>
    %broadcast_in_dim3A_10 = vector.shape_cast %reduce_min3A_9 : vector<2048xi32> to vector<1x2048xi32>
    %eq3A_11 = vector.broadcast %broadcast_in_dim3A_10 : vector<1x2048xi32> to vector<8x2048xi32>
    %eq3A_12 = arith.cmpi eq, %iota3A, %eq3A_11 : vector<8x2048xi32>
    %jit3A_13 = arith.constant 0xFF800000 : f32
    %broadcast_in_dim3A_14 = vector.broadcast %jit3A_13 : f32 to vector<8x2048xf32>
    %select_n3A_15 = arith.select %eq3A_12, %broadcast_in_dim3A_14, %dot_general3A_5 : vector<8x2048xi1>, vector<8x2048xf32>
    %reduce_max3A_16 = arith.constant dense<0xFF800000> : vector<2048xf32>
    %reduce_max3A_17 = vector.multi_reduction <maximumf>, %select_n3A_15, %reduce_max3A_16 [0] : vector<8x2048xf32> to vector<2048xf32>
    %broadcast_in_dim3A_18 = vector.shape_cast %reduce_max3A_17 : vector<2048xf32> to vector<1x2048xf32>
    %eq3A_19 = vector.broadcast %broadcast_in_dim3A_18 : vector<1x2048xf32> to vector<8x2048xf32>
    %eq3A_20 = arith.cmpf oeq, %select_n3A_15, %eq3A_19 : vector<8x2048xf32>
    %jit3A_21 = arith.constant 8 : i32
    %broadcast_in_dim3A_22 = vector.broadcast %jit3A_21 : i32 to vector<8x2048xi32>
    %select_n3A_23 = arith.select %eq3A_20, %iota3A, %broadcast_in_dim3A_22 : vector<8x2048xi1>, vector<8x2048xi32>
    %reduce_min3A_24 = arith.constant dense<2147483647> : vector<2048xi32>
    %reduce_min3A_25 = vector.multi_reduction <minsi>, %select_n3A_23, %reduce_min3A_24 [0] : vector<8x2048xi32> to vector<2048xi32>
    %broadcast_in_dim3A_26 = vector.shape_cast %reduce_min3A_25 : vector<2048xi32> to vector<1x2048xi32>
    %eq3A_27 = vector.broadcast %broadcast_in_dim3A_26 : vector<1x2048xi32> to vector<8x2048xi32>
    %eq3A_28 = arith.cmpi eq, %iota3A, %eq3A_27 : vector<8x2048xi32>
    %iota3A_29 = tpu.iota {dimensions = array<i32: 0>} : vector<2048x1xi32>
    %iota3A_30 = tpu.iota {dimensions = array<i32: 1>} : vector<1x2048xi32>
    %le3A = vector.broadcast %iota3A_29 : vector<2048x1xi32> to vector<2048x2048xi32>
    %le3A_31 = vector.broadcast %iota3A_30 : vector<1x2048xi32> to vector<2048x2048xi32>
    %le3A_32 = arith.cmpi sle, %le3A, %le3A_31 : vector<2048x2048xi32>
    %convert_element_type3A = arith.extui %le3A_32 : vector<2048x2048xi1> to vector<2048x2048xi32>
    %convert_element_type3A_33 = arith.sitofp %convert_element_type3A : vector<2048x2048xi32> to vector<2048x2048xf32>
    %convert_element_type3A_34 = arith.truncf %convert_element_type3A_33 : vector<2048x2048xf32> to vector<2048x2048xbf16>
    %convert_element_type3A_35 = arith.extui %eq3A_12 : vector<8x2048xi1> to vector<8x2048xi32>
    %convert_element_type3A_36 = arith.sitofp %convert_element_type3A_35 : vector<8x2048xi32> to vector<8x2048xf32>
    %convert_element_type3A_37 = arith.truncf %convert_element_type3A_36 : vector<8x2048xf32> to vector<8x2048xbf16>
    %convert_element_type3A_38 = arith.extui %eq3A_28 : vector<8x2048xi1> to vector<8x2048xi32>
    %convert_element_type3A_39 = arith.sitofp %convert_element_type3A_38 : vector<8x2048xi32> to vector<8x2048xf32>
    %convert_element_type3A_40 = arith.truncf %convert_element_type3A_39 : vector<8x2048xf32> to vector<8x2048xbf16>
    %concatenate3A = tpu.concatenate %convert_element_type3A_37, %convert_element_type3A_40 in 0 : vector<8x2048xbf16>, vector<8x2048xbf16> -> vector<16x2048xbf16>
    %dot_general3A_41 = arith.constant dense<0.000000e+00> : vector<16x2048xf32>
    %dot_general3A_42 = tpu.matmul %concatenate3A, %convert_element_type3A_34, %dot_general3A_41 {dimension_numbers = #tpu.dot_dimension_numbers<[1], [0], [0], [1], [0, 0, 1, 1], [], []>, transpose_lhs_hint = false} : vector<16x2048xbf16>, vector<2048x2048xbf16>, vector<16x2048xf32> -> vector<16x2048xf32>
    %convert_element_type3A_43 = arith.fptosi %dot_general3A_42 : vector<16x2048xf32> to vector<16x2048xi32>
    %convert_element_type3A_44 = arith.extui %eq3A_12 : vector<8x2048xi1> to vector<8x2048xi32>
    %reduce_sum3A = arith.constant dense<0> : vector<8xi32>
    %reduce_sum3A_45 = vector.multi_reduction <add>, %convert_element_type3A_44, %reduce_sum3A [1] : vector<8x2048xi32> to vector<8xi32>
    %broadcast_in_dim3A_46 = vector.shape_cast %reduce_sum3A_45 : vector<8xi32> to vector<8x1xi32>
    %slice3A = vector.extract_strided_slice %convert_element_type3A_43 {offsets = [0, 0], sizes = [8, 2048], strides = [1, 1]} : vector<16x2048xi32> to vector<8x2048xi32>
    %sub3A = arith.constant 1 : i32
    %sub3A_47 = vector.broadcast %sub3A : i32 to vector<8x2048xi32>
    %sub3A_48 = arith.subi %slice3A, %sub3A_47 : vector<8x2048xi32>
    %slice3A_49 = vector.extract_strided_slice %convert_element_type3A_43 {offsets = [8, 0], sizes = [8, 2048], strides = [1, 1]} : vector<16x2048xi32> to vector<8x2048xi32>
    %sub3A_50 = arith.constant 1 : i32
    %sub3A_51 = vector.broadcast %sub3A_50 : i32 to vector<8x2048xi32>
    %sub3A_52 = arith.subi %slice3A_49, %sub3A_51 : vector<8x2048xi32>
    %add3A = vector.broadcast %broadcast_in_dim3A_46 : vector<8x1xi32> to vector<8x2048xi32>
    %add3A_53 = arith.addi %sub3A_52, %add3A : vector<8x2048xi32>
    %lt3A = arith.constant 320 : i32
    %lt3A_54 = vector.broadcast %lt3A : i32 to vector<8x2048xi32>
    %lt3A_55 = arith.cmpi slt, %sub3A_48, %lt3A_54 : vector<8x2048xi32>
    %and3A = arith.andi %eq3A_12, %lt3A_55 : vector<8x2048xi1>
    %lt3A_56 = arith.constant 320 : i32
    %lt3A_57 = vector.broadcast %lt3A_56 : i32 to vector<8x2048xi32>
    %lt3A_58 = arith.cmpi slt, %add3A_53, %lt3A_57 : vector<8x2048xi32>
    %and3A_59 = arith.andi %eq3A_28, %lt3A_58 : vector<8x2048xi1>
    %mul3A = arith.constant 320 : i32
    %mul3A_60 = vector.broadcast %mul3A : i32 to vector<8x2048xi32>
    %mul3A_61 = arith.muli %iota3A, %mul3A_60 : vector<8x2048xi32>
    %add3A_62 = arith.addi %mul3A_61, %sub3A_48 : vector<8x2048xi32>
    %jit3A_63 = arith.constant 0 : i32
    %broadcast_in_dim3A_64 = vector.broadcast %jit3A_63 : i32 to vector<8x2048xi32>
    %select_n3A_65 = arith.select %and3A, %add3A_62, %broadcast_in_dim3A_64 : vector<8x2048xi1>, vector<8x2048xi32>
    %reduce_sum3A_66 = arith.constant dense<0> : vector<2048xi32>
    %reduce_sum3A_67 = vector.multi_reduction <add>, %select_n3A_65, %reduce_sum3A_66 [0] : vector<8x2048xi32> to vector<2048xi32>
    %broadcast_in_dim3A_68 = vector.shape_cast %reduce_sum3A_67 : vector<2048xi32> to vector<1x2048xi32>
    %convert_element_type3A_69 = arith.extui %and3A : vector<8x2048xi1> to vector<8x2048xi32>
    %reduce_sum3A_70 = arith.constant dense<0> : vector<2048xi32>
    %reduce_sum3A_71 = vector.multi_reduction <add>, %convert_element_type3A_69, %reduce_sum3A_70 [0] : vector<8x2048xi32> to vector<2048xi32>
    %broadcast_in_dim3A_72 = vector.shape_cast %reduce_sum3A_71 : vector<2048xi32> to vector<1x2048xi32>
    %add3A_73 = arith.addi %mul3A_61, %add3A_53 : vector<8x2048xi32>
    %jit3A_74 = arith.constant 0 : i32
    %broadcast_in_dim3A_75 = vector.broadcast %jit3A_74 : i32 to vector<8x2048xi32>
    %select_n3A_76 = arith.select %and3A_59, %add3A_73, %broadcast_in_dim3A_75 : vector<8x2048xi1>, vector<8x2048xi32>
    %reduce_sum3A_77 = arith.constant dense<0> : vector<2048xi32>
    %reduce_sum3A_78 = vector.multi_reduction <add>, %select_n3A_76, %reduce_sum3A_77 [0] : vector<8x2048xi32> to vector<2048xi32>
    %broadcast_in_dim3A_79 = vector.shape_cast %reduce_sum3A_78 : vector<2048xi32> to vector<1x2048xi32>
    %convert_element_type3A_80 = arith.extui %and3A_59 : vector<8x2048xi1> to vector<8x2048xi32>
    %reduce_sum3A_81 = arith.constant dense<0> : vector<2048xi32>
    %reduce_sum3A_82 = vector.multi_reduction <add>, %convert_element_type3A_80, %reduce_sum3A_81 [0] : vector<8x2048xi32> to vector<2048xi32>
    %broadcast_in_dim3A_83 = vector.shape_cast %reduce_sum3A_82 : vector<2048xi32> to vector<1x2048xi32>
    %gt3A = arith.constant 0 : i32
    %gt3A_84 = vector.broadcast %gt3A : i32 to vector<1x2048xi32>
    %gt3A_85 = arith.cmpi sgt, %broadcast_in_dim3A_72, %gt3A_84 : vector<1x2048xi32>
    %jit3A_86 = arith.constant 1073741824 : i32
    %broadcast_in_dim3A_87 = vector.broadcast %jit3A_86 : i32 to vector<1x2048xi32>
    %select_n3A_88 = arith.select %gt3A_85, %broadcast_in_dim3A_68, %broadcast_in_dim3A_87 : vector<1x2048xi1>, vector<1x2048xi32>
    %swap3A = arith.constant 0 : index
    %swap3A_89 = arith.constant 0 : index
    %swap3A_90 = arith.constant 0 : index
    %swap3A_91 = vector.load %arg2[%swap3A, %swap3A_89, %swap3A_90] : memref<2x1x2048xi32, #tpu.memory_space<vmem>>, vector<1x1x2048xi32>
    %swap3A_92 = vector.shape_cast %swap3A_91 : vector<1x1x2048xi32> to vector<1x2048xi32>
    %swap3A_93 = vector.shape_cast %select_n3A_88 : vector<1x2048xi32> to vector<1x1x2048xi32>
    tpu.vector_store %arg2[%swap3A, %swap3A_89, %swap3A_90], %swap3A_93 {strides = array<i32>} : memref<2x1x2048xi32, #tpu.memory_space<vmem>>, vector<1x1x2048xi32>,
    %gt3A_94 = arith.constant 0 : i32
    %gt3A_95 = vector.broadcast %gt3A_94 : i32 to vector<1x2048xi32>
    %gt3A_96 = arith.cmpi sgt, %broadcast_in_dim3A_83, %gt3A_95 : vector<1x2048xi32>
    %jit3A_97 = arith.constant 1073741824 : i32
    %broadcast_in_dim3A_98 = vector.broadcast %jit3A_97 : i32 to vector<1x2048xi32>
    %select_n3A_99 = arith.select %gt3A_96, %broadcast_in_dim3A_79, %broadcast_in_dim3A_98 : vector<1x2048xi1>, vector<1x2048xi32>
    %swap3A_100 = arith.constant 1 : index
    %swap3A_101 = arith.constant 0 : index
    %swap3A_102 = arith.constant 0 : index
    %swap3A_103 = vector.load %arg2[%swap3A_100, %swap3A_101, %swap3A_102] : memref<2x1x2048xi32, #tpu.memory_space<vmem>>, vector<1x1x2048xi32>
    %swap3A_104 = vector.shape_cast %swap3A_103 : vector<1x1x2048xi32> to vector<1x2048xi32>
    %swap3A_105 = vector.shape_cast %select_n3A_99 : vector<1x2048xi32> to vector<1x1x2048xi32>
    tpu.vector_store %arg2[%swap3A_100, %swap3A_101, %swap3A_102], %swap3A_105 {strides = array<i32>} : memref<2x1x2048xi32, #tpu.memory_space<vmem>>, vector<1x1x2048xi32>,
    return
  }
}

module attributes {stable_mosaic.version = 14 : i64} {
  func.func @_gemm_kernel(%arg0: i32, %arg1: i32, %arg2: memref<320x1024xf32, #tpu.memory_space<vmem>>, %arg3: memref<1x320x1xi32, #tpu.memory_space<vmem>>, %arg4: memref<1x1024x2048xf32, #tpu.memory_space<vmem>>, %arg5: memref<1x320x2048xf32, #tpu.memory_space<vmem>>) attributes {dimension_semantics = [#tpu.dimension_semantics<arbitrary>, #tpu.dimension_semantics<arbitrary>], iteration_bounds = array<i64: 8, 1>, scalar_prefetch = 0 : i64, scratch_operands = 0 : i64, tpu.core_type = #tpu.core_type<tc>, window_params = [{transform_indices = @transform_0, window_bounds = array<i64: 320, 1024>}, {transform_indices = @transform_1, window_bounds = array<i64: 1, 320, 1>}, {transform_indices = @transform_2, window_bounds = array<i64: 1, 1024, 2048>}, {transform_indices = @transform_3, window_bounds = array<i64: 1, 320, 2048>}]} {
    %get3A = arith.constant 0 : index
    %get3A_0 = arith.constant 0 : index
    %get3A_1 = arith.constant 0 : index
    %get3A_2 = vector.load %arg3[%get3A, %get3A_0, %get3A_1] : memref<1x320x1xi32, #tpu.memory_space<vmem>>, vector<1x320x1xi32>
    %get3A_3 = vector.shape_cast %get3A_2 : vector<1x320x1xi32> to vector<320x1xi32>
    %gt3A = arith.constant 0 : i32
    %gt3A_4 = vector.broadcast %gt3A : i32 to vector<320x1xi32>
    %gt3A_5 = arith.cmpi sgt, %get3A_3, %gt3A_4 : vector<320x1xi32>
    %convert_element_type3A = arith.extui %gt3A_5 : vector<320x1xi1> to vector<320x1xi32>
    %convert_element_type3A_6 = arith.sitofp %convert_element_type3A : vector<320x1xi32> to vector<320x1xf32>
    %get3A_7 = arith.constant 0 : index
    %get3A_8 = arith.constant 0 : index
    %get3A_9 = vector.load %arg2[%get3A_7, %get3A_8] : memref<320x1024xf32, #tpu.memory_space<vmem>>, vector<320x1024xf32>
    %mul3A = vector.broadcast %convert_element_type3A_6 : vector<320x1xf32> to vector<320x1024xf32>
    %mul3A_10 = arith.mulf %get3A_9, %mul3A : vector<320x1024xf32>
    %get3A_11 = arith.constant 0 : index
    %get3A_12 = arith.constant 0 : index
    %get3A_13 = arith.constant 0 : index
    %get3A_14 = vector.load %arg4[%get3A_11, %get3A_12, %get3A_13] : memref<1x1024x2048xf32, #tpu.memory_space<vmem>>, vector<1x1024x2048xf32>
    %get3A_15 = vector.shape_cast %get3A_14 : vector<1x1024x2048xf32> to vector<1024x2048xf32>
    %dot_general3A = arith.constant dense<0.000000e+00> : vector<320x2048xf32>
    %dot_general3A_16 = tpu.matmul %mul3A_10, %get3A_15, %dot_general3A {dimension_numbers = #tpu.dot_dimension_numbers<[1], [0], [0], [1], [0, 0, 1, 1], [], []>, transpose_lhs_hint = false} : vector<320x1024xf32>, vector<1024x2048xf32>, vector<320x2048xf32> -> vector<320x2048xf32>
    %broadcast_in_dim3A = vector.shape_cast %dot_general3A_16 : vector<320x2048xf32> to vector<1x320x2048xf32>
    %swap3A = arith.constant 0 : index
    %swap3A_17 = arith.constant 0 : index
    %swap3A_18 = arith.constant 0 : index
    %swap3A_19 = vector.load %arg5[%swap3A, %swap3A_17, %swap3A_18] : memref<1x320x2048xf32, #tpu.memory_space<vmem>>, vector<1x320x2048xf32>
    tpu.vector_store %arg5[%swap3A, %swap3A_17, %swap3A_18], %broadcast_in_dim3A {strides = array<i32>} : memref<1x320x2048xf32, #tpu.memory_space<vmem>>, vector<1x320x2048xf32>,
    return
  }
  func.func @transform_0(%arg0: i32, %arg1: i32) -> (i32, i32) {
    %c0_i32 = arith.constant 0 : i32
    %c0_i32_0 = arith.constant 0 : i32
    return %arg0, %c0_i32 : i32, i32
  }
  func.func @transform_1(%arg0: i32, %arg1: i32) -> (i32, i32, i32) {
    %c0_i32 = arith.constant 0 : i32
    %c0_i32_0 = arith.constant 0 : i32
    %c0_i32_1 = arith.constant 0 : i32
    return %arg0, %c0_i32, %c0_i32_0 : i32, i32, i32
  }
  func.func @transform_2(%arg0: i32, %arg1: i32) -> (i32, i32, i32) {
    %c0_i32 = arith.constant 0 : i32
    %c0_i32_0 = arith.constant 0 : i32
    return %arg0, %c0_i32, %arg1 : i32, i32, i32
  }
  func.func @transform_3(%arg0: i32, %arg1: i32) -> (i32, i32, i32) {
    %c0_i32 = arith.constant 0 : i32
    %c0_i32_0 = arith.constant 0 : i32
    return %arg0, %c0_i32, %arg1 : i32, i32, i32
  }
}

</mosaic_0001>

<sc_bundles>
// kernel: kernel.5.cloned.1.call-start
scs
__scs_entry_jumppad:
0x0: {  	(pc) =	sbr.rel $0x88, $3  }
0x1: {  	(tag) =	ssettag $0x0;
	lr =	simm.s32 $0x1  }
0x2: {  	[smem:$0x3F9E] =	sst lr;
	_ =	strace $0xD0000000  }
0x3: {  	_ = 	snop  }
0x4: {  	_ = 	snop  }
0x5: {  	_ = 	snop  }
0x6: {  	_ = 	snop  }
0x7: {  	_ = 	snop  }
__scs_overlays_trampoline_lowered:
0x8: {  	[smem:$0x3FAD] =	sst s0  }
0x9: {  	[smem:$0x3FAE] =	sst s1  }
0xa: {  	[smem:$0x3FAF] =	sst s2  }
0xb: {  	[smem:$0x3FB0] =	sst s3  }
0xc: {  	[smem:$0x3FB1] =	sst s4  }
0xd: {  	[smem:$0x3FB2] =	sst s5  }
0xe: {  	[smem:$0x3FB3] =	sst s6  }
0xf: {  	[smem:$0x3FB4] =	sst s7  }
0x10: {  	[smem:$0x3FB5] =	sst s8  }
0x11: {  	[smem:$0x3FB6] =	sst s9;
	s0 =	simm.s32 @!p0 $0x0  }
0x12: {  	s1 =	sld [smem:$0x3F9C];
	s0 =	simm.s32 @p0 $0x1  }
0x13: {  	[smem:$0x3FB7] =	sst s0;
	s0 =	simm.s32 @!p1 $0x0  }
0x14: {  	s2 =	sld [smem:$0x3F9B];
	s0 =	simm.s32 @p1 $0x1  }
0x15: {  	[smem:$0x3FB8] =	sst s0;
	s0 =	simm.s32 @!p2 $0x0  }
0x16: {  	s3 =	sld [smem:$0x3FDB];
	s0 =	simm.s32 @p2 $0x1  }
0x17: {  	s4 =	simm.s32 $0x1BF5;
	[smem:$0x3FBA] =	sst s0  }
0x18: {  	s0 =	sld [smem:$0x3F9D];
	_ =	swait.ge [sflag:s4], $0x0  }
0x19: {  	s7 =	sld [smem:$0x3F9E]  }
0x1a: {  	s8 =	sadd.s32 $0xFFFFE003, lr  }
0x1b: {  	s9 =	sadd.s32 $0xFFFFFEF7, lr;
	s5 =	simm.s32 $0xFFFFFFFF;
	p2 =	slt.u32 s8, $0xFFFFF086  }
0x1c: {  	p1 =	slt.u32 s9, $0xF7A;
	s5 =	simm.s32 @!p2 $0x0  }
0x1d: {  	s5 =	simm.s32 @p1 $0x1;
	p0 =	seq.s32 s7, s2  }
0x1e: {  	s7 =	smul.u32 @!p0 $0xF7A, s2;
	p2 =	seq.s32 @!p0 s5, $0x0  }
0x1f: {  	s9 =	smul.u32 $0xF7A, s1;
	s8 =	simm.s32 @!p0 $0x1BF5;
	p2 =	por !p2, p0  }
0x20: {  	[sflag:s8] =	ssyncset.s32 @!p0 $0xFFFFF086;
	s6 =	sadd.s32 @!p0 s3, s7;
	s7 =	simm.s32 @!p0 $0x108  }
0x21: {  	s3 =	sadd.s32 s3, s9;
	s6 =	sadd.s32 @!p0 $0x88, s6;
	s7 =	simm.s32 @p2 $0x1082  }
0x22: {  	[simem:s7], [sflag:s8] =	dma.local @!p0 [hbm:s6], $0xF7A  }
0x23: {  	s9 =	sor.u32 $0xD0000000, s2;
	s6 =	simm.s32 $0x108;
	_ =	swait.ge @!p0 [sflag:s8], $0x0  }
0x24: {  	s3 =	sadd.s32 $0x88, s3;
	s6 =	simm.s32 @!p1 $0x1082;
	[sflag:s4] =	ssyncset.s32 $0xFFFFF086  }
0x25: {  	[simem:s6], [sflag:s4] =	dma.local [hbm:s3], $0xF7A  }
0x26: {  	[smem:$0x3F9E] =	sst s1;
	(tag) =	ssettag s2;
	_ =	strace s9  }
0x27: {  	s1 =	sld [smem:$0x3FAE]  }
0x28: {  	s2 =	sld [smem:$0x3FAF]  }
0x29: {  	s4 =	sld [smem:$0x3FB1]  }
0x2a: {  	p0 =	seq.s32 s5, $0x0;
	s5 =	sld [smem:$0x3FB2]  }
0x2b: {  	s6 =	sld [smem:$0x3FB3]  }
0x2c: {  	s7 =	sld [smem:$0x3FB4]  }
0x2d: {  	s3 =	simm.s32 $0x108;
	s8 =	sld [smem:$0x3FB5]  }
0x2e: {  	s3 =	simm.s32 @!p0 $0x1082;
	s9 =	sld [smem:$0x3FB6]  }
0x2f: {  	lr =	sadd.s32 s0, s3;
	s0 =	sld [smem:$0x3FAD]  }
0x30: {  	s3 =	sld [smem:$0x3FB0]  }
0x31: {  	[smem:$0x3FB9] =	sst s10  }
0x32: {  	s10 =	sld [smem:$0x3FB7];
	_ =	sdelay $0x3  }
0x33: {  	p0 =	seq.s32 s10, $0x1;
	s10 =	sld [smem:$0x3FB9];
	_ =	sdelay $0x3  }
0x34: {  	[smem:$0x3FB9] =	sst s10  }
0x35: {  	s10 =	sld [smem:$0x3FB8];
	_ =	sdelay $0x3  }
0x36: {  	p1 =	seq.s32 s10, $0x1;
	s10 =	sld [smem:$0x3FB9];
	_ =	sdelay $0x3  }
0x37: {  	[smem:$0x3FB9] =	sst s10  }
0x38: {  	s10 =	sld [smem:$0x3FBA]  }
0x39: {  	_ = 	snop;
	(pc) =	sbr.ind lr, $3  }
0x3a: {  	_ = 	snop  }
0x3b: {  	_ = 	snop  }
0x3c: {  	p2 =	seq.s32 s10, $0x1;
	s10 =	sld [smem:$0x3FB9]  }
0x3d: {  	_ =	shalt  }
0x3e: {  	_ =	shalt  }
0x3f: {  	_ =	shalt  }
0x40: {  	_ =	shalt  }
0x41: {  	_ =	shalt  }
0x42: {  	_ =	shalt  }
0x43: {  	_ =	shalt  }
0x44: {  	_ =	shalt  }
0x45: {  	_ =	shalt  }
0x46: {  	_ =	shalt  }
0x47: {  	_ =	shalt  }
0x48: {  	_ =	shalt  }
0x49: {  	_ =	shalt  }
0x4a: {  	_ =	shalt  }
0x4b: {  	_ =	shalt  }
0x4c: {  	_ =	shalt  }
0x4d: {  	_ =	shalt  }
0x4e: {  	_ =	shalt  }
0x4f: {  	_ =	shalt  }
0x50: {  	_ =	shalt  }
0x51: {  	_ =	shalt  }
0x52: {  	_ =	shalt  }
0x53: {  	_ =	shalt  }
0x54: {  	_ =	shalt  }
0x55: {  	_ =	shalt  }
0x56: {  	_ =	shalt  }
0x57: {  	_ =	shalt  }
0x58: {  	_ =	shalt  }
0x59: {  	_ =	shalt  }
0x5a: {  	_ =	shalt  }
0x5b: {  	_ =	shalt  }
0x5c: {  	_ =	shalt  }
0x5d: {  	_ =	shalt  }
0x5e: {  	_ =	shalt  }
0x5f: {  	_ =	shalt  }
0x60: {  	_ =	shalt  }
0x61: {  	_ =	shalt  }
0x62: {  	_ =	shalt  }
0x63: {  	_ =	shalt  }
0x64: {  	_ =	shalt  }
0x65: {  	_ =	shalt  }
0x66: {  	_ =	shalt  }
0x67: {  	_ =	shalt  }
0x68: {  	_ =	shalt  }
0x69: {  	_ =	shalt  }
0x6a: {  	_ =	shalt  }
0x6b: {  	_ =	shalt  }
0x6c: {  	_ =	shalt  }
0x6d: {  	_ =	shalt  }
0x6e: {  	_ =	shalt  }
0x6f: {  	_ =	shalt  }
0x70: {  	_ =	shalt  }
0x71: {  	_ =	shalt  }
0x72: {  	_ =	shalt  }
0x73: {  	_ =	shalt  }
0x74: {  	_ =	shalt  }
0x75: {  	_ =	shalt  }
0x76: {  	_ =	shalt  }
0x77: {  	_ =	shalt  }
0x78: {  	_ =	shalt  }
0x79: {  	_ =	shalt  }
0x7a: {  	_ =	shalt  }
0x7b: {  	_ =	shalt  }
0x7c: {  	_ =	shalt  }
0x7d: {  	_ =	shalt  }
0x7e: {  	_ =	shalt  }
0x7f: {  	_ =	shalt  }
0x80: {  	_ =	shalt  }
0x81: {  	_ =	shalt  }
0x82: {  	_ =	shalt  }
0x83: {  	_ =	shalt  }
0x84: {  	_ =	shalt  }
0x85: {  	_ =	shalt  }
0x86: {  	_ =	shalt  }
0x87: {  	_ =	shalt  }
.Lfunc_end0:
.L_simem_size_0:
called_computation_lowered:
.L_overlay_start_0:
0x88: {  	s2 =	sld [smem:$0x3FD9]  }
0x89: {  	s3 =	sld [smem:$0x3FFE];
	_ =	sdelay $0x1  }
0x8a: {  	s1 =	srdreg.scid  }
0x8b: {  	s0 =	sand.u32 $0x1, s1  }
0x8c: {  	s17 =	sshll.u32 s0, $0xA;
	s2 =	sadd.s32 s3, s2  }
0x8d: {  	s2 =	sadd.s32 s2, s17  }
0x8e: {  	[smem:$0x3FC5] =	sst s2  }
0x8f: {  	_ = 	snop  }
0x90: {  	s2 =	sld [smem:$0x3FC9]  }
0x91: {  	s18 =	sld [smem:$0x3FD0];
	(tm) =	ssettm $0x1  }
0x92: {  	s4 =	sld [smem:$0x3FFB];
	_ =	sdelay $0x3  }
0x93: {  	_ =	strace s4  }
0x94: {  	s4 =	sld [smem:$0x3FFC];
	_ =	sdelay $0x3  }
0x95: {  	_ =	strace s4  }
0x96: {  	s4 =	sld [smem:$0x3FFD];
	_ =	sdelay $0x3  }
0x97: {  	_ =	strace s4  }
0x98: {  	_ =	strace $0x8FFFFFFF  }
0x99: {  	s19 =	sld [smem:$0x3FDB];
	_ =	sdelay $0x1  }
0x9a: {  	s5 =	simm.s32 $_scs_section_size  }
0x9b: {  	s6 =	simm.s32 $_size__tile_overlayer_lowered;
	s7 =	simm.s32 $_tile_overlayer_lowered  }
0x9c: {  	s22 =	simm.s32 $0x1BFF;
	s21 =	sshll.u32 s7, $0x1;
	s4 =	sadd.s32 s5, s19  }
0x9d: {  	s8 =	simm.s32 $0x0;
	s20 =	sshll.u32 s6, $0x1;
	s6 =	sadd.s32 s21, s4  }
0x9e: {  	[timem:s8], [sflag:s22] =	dma.local [hbm:s6], s20  }
0x9f: {  	_ =	swait.ge [sflag:s22], s20  }
0xa0: {  	s5 =	ssub.s32 $0x0, s20;
	[sflag:s22] =	ssyncset.done $0x0  }
0xa1: {  	[sflag:s22] =	ssyncadd.s32 s5;
	_ =	sdelay $0x1  }
0xa2: {  	s23 =	simm.s32 $0x1B8B  }
0xa3: {  	_ =	swait.ge [sflag:s23], $0x1  }
0xa4: {  	[sflag:s23] =	ssyncset.done $0x0  }
0xa5: {  	s25 =	simm.s32 $0x1B8E;
	s24 =	sld [smem:$0x3FFE];
	[sflag:s23] =	ssyncadd.s32 $0xFFFFFFFF  }
0xa6: {  	s26 =	simm.s32 $execute0_lowered;
	[smem:$0x3FD2] =	sst s25  }
0xa7: {  	s6 =	sshll.u32 s26, $0x1;
	_ =	strace $0x80000046;
	[dreg:$0x1] =	wrdreg $0xFFFFFFFF  }
0xa8: {  	s28 =	simm.s32 $_size_execute0_lowered;
	s4 =	sadd.s32 s4, s6;
	[dreg:$0x0] =	wrdreg $0x0  }
0xa9: {  	s6 =	sshll.u32 s28, $0x1;
	[dreg:$0x2] =	wrdreg s4  }
0xaa: {  	[dreg:$0x3] =	wrdreg s6  }
0xab: {  	[dreg:$0x4] =	wrdreg $0xC0  }
0xac: {  	_ =	task [dreg:s8], $0x5FFFF  }
0xad: {  	[dreg:$0x1] =	wrdreg $0xFFFFFFFF  }
0xae: {  	[dreg:$0x0] =	wrdreg $0x60  }
0xaf: {  	[dreg:$0x2] =	wrdreg s24  }
0xb0: {  	[dreg:$0x3] =	wrdreg s2  }
0xb1: {  	[dreg:$0x4] =	wrdreg s18  }
0xb2: {  	[dreg:$0x5] =	wrdreg $0x9  }
0xb3: {  	_ =	task.clear_ibuf [dreg:s8], $0x6FFFF;
	_ =	strace $0x90000046  }
0xb4: {  	s29 =	simm.s32 $0x9;
	_ =	strace $0x80000048  }
0xb5: {  	_ =	swait.ge [sflag:s29], $0x1  }
0xb6: {  	[sflag:s29] =	ssyncadd.s32 $0xFFFFFFFF  }
0xb7: {  	_ =	strace $0x90000048  }
0xb8: {  	_ =	sfence  }
0xb9: {  	s30 =	sld [smem:$0x0];
	_ =	sdelay $0x2  }
0xba: {  	s31 =	sshll.u32 s1, $0xD;
	s1 =	sshrl.u32 s1, $0x2  }
0xbb: {  	s3 =	sand.u32 $0x4000, s31;
	s1 =	sadd.s32 s1, s30  }
0xbc: {  	s0 =	sor.u32 s3, s0;
	s1 =	sshll.u32 s1, $0x11  }
0xbd: {  	s0 =	sor.u32 s1, s0  }
0xbe: {  	s0 =	sadd.s32 $0x8F2B, s0  }
0xbf: {  	[sflag:s0] =	ssyncadd.remote.s32 $0x1  }
0xc0: {  	_ =	sfence.sel $0xFFFF  }
0xc1: {  	[dreg:$0x0] =	wrdreg $0xFFFFFFFF;
	(pc) =	sbr.abs _section_cstart, $3  }
0xc2: {  	[dreg:$0x1] =	wrdreg $0xFFFFFFFF  }
0xc3: {  	_ =	task.clear_ibuf [dreg:s8], $0x2FFFF;
	_ =	strace $0x9FFFFFFF  }
0xc4: {  	(tm) =	ssettm $0x7FFFFFFF  }
0xc5: {  	_ =	shalt  }
tec
execute0_lowered:
.L_overlay_start_1:
0x0: {  	(tag) =	ssettag $0x1  }
0x1: {  	s0 =	rddreg [dreg:$0x0]  }
0x2: {  	s1 =	rddreg [dreg:$0x1]  }
0x3: {  	s2 =	rddreg [dreg:$0x2]  }
0x4: {  	s3 =	simm.s32 $0x0;
	s4 =	srdreg.scid;
	s6 =	stileid.u32  }
0x5: {  	s16 =	simm.s32 $0x7;
	s18 =	simm.s32 $0x1000;
	s19 =	simm.s32 $0x1300  }
0x6: {  	s28 =	simm.s32 $0x5300;
	s21 =	simm.s32 $0x9300;
	s31 =	simm.s32 $0xD300  }
0x7: {  	s29 =	simm.s32 $0x5;
	s30 =	simm.s32 $0x6;
	[smem:$0x7FF] =	sst s3  }
0x8: {  	s5 =	sand.u32 $0x1, s4;
	s22 =	sshll.u32 s6, $0x1;
	s23 =	sadd.s32 $0x1000, s0  }
0x9: {  	s6 =	sadd.s32 $0x100, s1;
	_ =	strace $0x80000047;
	s7 =	sor.u32 s5, s22  }
0xa: {  	[dreg:$0x4] =	wrdreg s23;
	s5 =	ssub.s32 $0x2, s5;
	s8 =	smul.u32 $0x14000, s7  }
0xb: {  	s22 =	simm.s32 $0x1;
	s23 =	simm.s32 $0x2;
	s17 =	smul.u32 $0x50, s7  }
0xc: {  	s24 =	sshll.u32 s7, $0x4;
	s25 =	sshrl.u32 s5, $0x1;
	s26 =	smul.u32 $0x2800, s7  }
0xd: {  	s7 =	sadd.s32 $0x200, s1;
	s14 =	sadd.s32 s24, s0;
	s15 =	ssub.s32 s5, s25  }
0xe: {  	s5 =	sadd.s32 $0x1100, s0;
	s25 =	simm.s32 $0x11300;
	s24 =	simm.s32 $0x3  }
0xf: {  	s0 =	simm.s32 $0x0;
	s9 =	sshrl.u32 s8, $0x3;
	s8 =	sadd.s32 $0x300, s1  }
0x10: {  	v1 =	vimm.s32 $0x0;
	v5 =	vlaneseq.u32;
	vm0 =	vmmov $0xffff;
	s14 =	sadd.s32 $0x1200, s14;
	s15 =	smax.u32 s15, $0x1;
	s13 =	sadd.s32 s2, s9  }
0x11: {  	v2 =	vadd.s32 $0x1, v5;
	v3 =	vand.u32 $0x7, v5;
	v4 =	vshrl.u32 v5, $0x3;
	s9 =	sadd.s32 s2, s26;
	s26 =	simm.s32 $0x4;
	s10 =	sadd.s32 $0x800, s13  }
0x12: {  	v5 =	vor.u32 $0x8, v5;
	v4 =	vmul.u32 $0x8, v4;
	v0 =	vmov s17;
	s11 =	sadd.s32 $0x1000, s13;
	s12 =	sadd.s32 $0x1800, s13;
	s13 =	sadd.s32 $0x2000, s13  }
.LBB2_1:
0x13: {  	s2 =	rddreg [dreg:$0x4]  }
0x14: {  	[tilespmem:s3], [sflag:$0x7] =	stream.linear.gather [hbm4b:s2+s3], $0x800, $0x38;
	[tilespmem:$0x15300] =	vst v63  }
0x15: {  	_ =	swait.ge [sflag:s16], $0x800  }
0x16: {  	[sflag:s16] =	ssyncset.done $0x0  }
0x17: {  	s20 =	simm.s32 $0x800;
	[sflag:s16] =	ssyncadd.s32 $0xFFFFF800  }
0x18: {  	[tilespmem:s20], [sflag:$0x7] =	stream.linear.gather [hbm4b:s5+s3], $0x800, $0x38;
	[tilespmem:$0x15300] =	vst v63  }
0x19: {  	_ =	swait.ge [sflag:s16], $0x800  }
0x1a: {  	[sflag:s16] =	ssyncset.done $0x0  }
0x1b: {  	[sflag:s16] =	ssyncadd.s32 $0xFFFFF800  }
0x1c: {  	[tilespmem:$0x1000] =	vst v1  }
0x1d: {  	[tilespmem:$0x1010] =	vst v1  }
0x1e: {  	[tilespmem:$0x1020] =	vst v1  }
0x1f: {  	[tilespmem:$0x1030] =	vst v1  }
0x20: {  	s17 =	simm.s32 $0x20;
	s2 =	simm.s32 $0x820;
	s20 =	simm.s32 $0x0;
	[tilespmem:$0x1040] =	vst v1  }
.LBB2_2:
0x21: {  	v6 =	vld [tilespmem:s17+$0xFFFFFFE0];
	_ =	sdelay $0x4  }
0x22: {  	v6 =	vsub.s32 v6, v0  }
0x23: {  	vm1 =	vlt.u32 v6, $0x50  }
0x24: {  	v6 =	vnsel vm1, $0x0, v6;
	_ =	sdelay $0x3  }
0x25: {  	v7 =	vor.u32 s20, v2  }
0x26: {  	[tilespmem:v6+s18+$0x0] =	vst.idx.msk vm1, v7  }
0x27: {  	v6 =	vld [tilespmem:s2+$0xFFFFFFE0];
	_ =	sdelay $0x4  }
0x28: {  	v6 =	vsub.s32 v6, v0  }
0x29: {  	vm1 =	vlt.u32 v6, $0x50  }
0x2a: {  	v6 =	vnsel vm1, $0x0, v6;
	_ =	sdelay $0x4  }
0x2b: {  	[tilespmem:v6+s18+$0x0] =	vst.idx.msk vm1, v7  }
0x2c: {  	v6 =	vld [tilespmem:s17+$0xFFFFFFF0];
	_ =	sdelay $0x4  }
0x2d: {  	v6 =	vsub.s32 v6, v0  }
0x2e: {  	vm1 =	vlt.u32 v6, $0x50  }
0x2f: {  	v6 =	vnsel vm1, $0x0, v6;
	_ =	sdelay $0x2  }
0x30: {  	s4 =	sadd.s32 $0x10, s20  }
0x31: {  	v7 =	vadd.s32 s4, v2  }
0x32: {  	[tilespmem:v6+s18+$0x0] =	vst.idx.msk vm1, v7  }
0x33: {  	v6 =	vld [tilespmem:s2+$0xFFFFFFF0];
	_ =	sdelay $0x4  }
0x34: {  	v6 =	vsub.s32 v6, v0  }
0x35: {  	vm1 =	vlt.u32 v6, $0x50  }
0x36: {  	v6 =	vnsel vm1, $0x0, v6;
	_ =	sdelay $0x4  }
0x37: {  	[tilespmem:v6+s18+$0x0] =	vst.idx.msk vm1, v7  }
0x38: {  	v6 =	vld [tilespmem:s17+$0x0];
	_ =	sdelay $0x4  }
0x39: {  	v6 =	vsub.s32 v6, v0  }
0x3a: {  	vm1 =	vlt.u32 v6, $0x50  }
0x3b: {  	v6 =	vnsel vm1, $0x0, v6;
	_ =	sdelay $0x2  }
0x3c: {  	s4 =	sadd.s32 $0x20, s20  }
0x3d: {  	v7 =	vor.u32 s4, v2  }
0x3e: {  	[tilespmem:v6+s18+$0x0] =	vst.idx.msk vm1, v7  }
0x3f: {  	v6 =	vld [tilespmem:s2+$0x0];
	_ =	sdelay $0x4  }
0x40: {  	v6 =	vsub.s32 v6, v0  }
0x41: {  	vm1 =	vlt.u32 v6, $0x50  }
0x42: {  	v6 =	vnsel vm1, $0x0, v6;
	_ =	sdelay $0x4  }
0x43: {  	[tilespmem:v6+s18+$0x0] =	vst.idx.msk vm1, v7  }
0x44: {  	v6 =	vld [tilespmem:s17+$0x10];
	_ =	sdelay $0x4  }
0x45: {  	v6 =	vsub.s32 v6, v0  }
0x46: {  	vm1 =	vlt.u32 v6, $0x50  }
0x47: {  	v6 =	vnsel vm1, $0x0, v6;
	_ =	sdelay $0x2  }
0x48: {  	s4 =	sadd.s32 $0x30, s20  }
0x49: {  	v7 =	vadd.s32 s4, v2  }
0x4a: {  	[tilespmem:v6+s18+$0x0] =	vst.idx.msk vm1, v7  }
0x4b: {  	v6 =	vld [tilespmem:s2+$0x10];
	_ =	sdelay $0x4  }
0x4c: {  	v6 =	vsub.s32 v6, v0  }
0x4d: {  	vm1 =	vlt.u32 v6, $0x50  }
0x4e: {  	p0 =	sne.s32 s20, $0x7C0;
	v6 =	vnsel vm1, $0x0, v6  }
.Ltmp0:
0x4f: {  	_ = 	snop;
	(pc) =	sbr.rel @p0 .LBB2_2-.Ltmp0, $2  }
0x50: {  	_ =	sdelay $0x2  }
0x51: {  	s20 =	sadd.s32 $0x40, s20;
	s17 =	sadd.s32 $0x40, s17;
	s2 =	sadd.s32 $0x40, s2;
	[tilespmem:v6+s18+$0x0] =	vst.idx.msk vm1, v7  }
0x52: {  	v6 =	vld [tilespmem:$0x1000];
	_ =	sdelay $0x4  }
0x53: {  	v6 =	vadd.s32 $0xFFFFFFFF, v6  }
0x54: {  	vm1 =	vgt.s32 v6, $0x0  }
0x55: {  	v6 =	vnsel vm1, $0x0, v6  }
0x56: {  	v7 =	vshll.u32 v6, $0x3  }
0x57: {  	v8 =	vand.u32 $0x7, v6;
	v7 =	vand.u32 $0xFFFFFFC0, v7  }
0x58: {  	v7 =	vor.u32 v8, v7  }
0x59: {  	v8 =	vperm.xlane v7, v3;
	_ =	sdelay $0x1  }
0x5a: {  	v8 =	vadd.s32 v4, v8;
	_ =	sdelay $0x3  }
0x5b: {  	[tilespmem:$0x1080] =	vst v6  }
0x5c: {  	[tilespmem:s19], [sflag:$0x1] =	stream.indirect_vreg.gather [hbm4b:s1+s3], $0x80, v8, vm0, $0xb8;
	[tilespmem:$0x15300] =	vst v63  }
0x5d: {  	s2 =	simm.s32 $0x1B00;
	v6 =	vperm.xlane v7, v5  }
0x5e: {  	[tilespmem:s2], [sflag:$0x1] =	stream.indirect_vreg.gather [hbm4b:s6+s3], $0x80, v8, vm0, $0xb8;
	[tilespmem:$0x15300] =	vst v63  }
0x5f: {  	s20 =	simm.s32 $0x2300;
	v6 =	vadd.s32 v4, v6  }
0x60: {  	[tilespmem:s20], [sflag:$0x1] =	stream.indirect_vreg.gather [hbm4b:s7+s3], $0x80, v8, vm0, $0xb8;
	[tilespmem:$0x15300] =	vst v63  }
0x61: {  	s4 =	simm.s32 $0x2B00  }
0x62: {  	[tilespmem:s4], [sflag:$0x1] =	stream.indirect_vreg.gather [hbm4b:s8+s3], $0x80, v8, vm0, $0xb8;
	[tilespmem:$0x15300] =	vst v63  }
0x63: {  	s17 =	simm.s32 $0x3300  }
0x64: {  	[tilespmem:s17], [sflag:$0x1] =	stream.indirect_vreg.gather [hbm4b:s1+s3], $0x80, v6, vm0, $0xb8;
	[tilespmem:$0x15300] =	vst v63  }
0x65: {  	s20 =	simm.s32 $0x3B00  }
0x66: {  	[tilespmem:s20], [sflag:$0x1] =	stream.indirect_vreg.gather [hbm4b:s6+s3], $0x80, v6, vm0, $0xb8;
	[tilespmem:$0x15300] =	vst v63  }
0x67: {  	s4 =	simm.s32 $0x4300  }
0x68: {  	[tilespmem:s4], [sflag:$0x1] =	stream.indirect_vreg.gather [hbm4b:s7+s3], $0x80, v6, vm0, $0xb8;
	[tilespmem:$0x15300] =	vst v63  }
0x69: {  	s17 =	simm.s32 $0x4B00  }
0x6a: {  	[tilespmem:s17], [sflag:$0x1] =	stream.indirect_vreg.gather [hbm4b:s8+s3], $0x80, v6, vm0, $0xb8;
	[tilespmem:$0x15300] =	vst v63  }
0x6b: {  	v6 =	vld [tilespmem:$0x1010];
	_ =	sdelay $0x4  }
0x6c: {  	v6 =	vadd.s32 $0xFFFFFFFF, v6  }
0x6d: {  	vm1 =	vgt.s32 v6, $0x0  }
0x6e: {  	v6 =	vnsel vm1, $0x0, v6  }
0x6f: {  	v7 =	vshll.u32 v6, $0x3  }
0x70: {  	v60 =	vand.u32 $0x7, v6;
	v7 =	vand.u32 $0xFFFFFFC0, v7  }
0x71: {  	v7 =	vor.u32 v60, v7  }
0x72: {  	v8 =	vperm.xlane v7, v3;
	_ =	sdelay $0x1  }
0x73: {  	v8 =	vadd.s32 v4, v8;
	_ =	sdelay $0x3  }
0x74: {  	[tilespmem:$0x1100] =	vst v6  }
0x75: {  	[tilespmem:s28], [sflag:$0x2] =	stream.indirect_vreg.gather [hbm4b:s1+s3], $0x80, v8, vm0, $0xb8;
	[tilespmem:$0x15300] =	vst v63  }
0x76: {  	s20 =	simm.s32 $0x5B00;
	v6 =	vperm.xlane v7, v5  }
0x77: {  	[tilespmem:s20], [sflag:$0x2] =	stream.indirect_vreg.gather [hbm4b:s6+s3], $0x80, v8, vm0, $0xb8;
	[tilespmem:$0x15300] =	vst v63  }
0x78: {  	s4 =	simm.s32 $0x6300;
	v6 =	vadd.s32 v4, v6  }
0x79: {  	[tilespmem:s4], [sflag:$0x2] =	stream.indirect_vreg.gather [hbm4b:s7+s3], $0x80, v8, vm0, $0xb8;
	[tilespmem:$0x15300] =	vst v63  }
0x7a: {  	s17 =	simm.s32 $0x6B00  }
0x7b: {  	[tilespmem:s17], [sflag:$0x2] =	stream.indirect_vreg.gather [hbm4b:s8+s3], $0x80, v8, vm0, $0xb8;
	[tilespmem:$0x15300] =	vst v63  }
0x7c: {  	s20 =	simm.s32 $0x7300  }
0x7d: {  	[tilespmem:s20], [sflag:$0x2] =	stream.indirect_vreg.gather [hbm4b:s1+s3], $0x80, v6, vm0, $0xb8;
	[tilespmem:$0x15300] =	vst v63  }
0x7e: {  	s4 =	simm.s32 $0x7B00  }
0x7f: {  	[tilespmem:s4], [sflag:$0x2] =	stream.indirect_vreg.gather [hbm4b:s6+s3], $0x80, v6, vm0, $0xb8;
	[tilespmem:$0x15300] =	vst v63  }
0x80: {  	s17 =	simm.s32 $0x8300  }
0x81: {  	[tilespmem:s17], [sflag:$0x2] =	stream.indirect_vreg.gather [hbm4b:s7+s3], $0x80, v6, vm0, $0xb8;
	[tilespmem:$0x15300] =	vst v63  }
0x82: {  	s20 =	simm.s32 $0x8B00  }
0x83: {  	[tilespmem:s20], [sflag:$0x2] =	stream.indirect_vreg.gather [hbm4b:s8+s3], $0x80, v6, vm0, $0xb8;
	[tilespmem:$0x15300] =	vst v63  }
0x84: {  	v6 =	vld [tilespmem:$0x1020];
	_ =	sdelay $0x4  }
0x85: {  	v6 =	vadd.s32 $0xFFFFFFFF, v6  }
0x86: {  	vm1 =	vgt.s32 v6, $0x0  }
0x87: {  	v6 =	vnsel vm1, $0x0, v6  }
0x88: {  	v7 =	vshll.u32 v6, $0x3  }
0x89: {  	v61 =	vand.u32 $0x7, v6;
	v7 =	vand.u32 $0xFFFFFFC0, v7  }
0x8a: {  	v7 =	vor.u32 v61, v7  }
0x8b: {  	v8 =	vperm.xlane v7, v3;
	_ =	sdelay $0x1  }
0x8c: {  	v8 =	vadd.s32 v4, v8;
	_ =	sdelay $0x3  }
0x8d: {  	[tilespmem:$0x1180] =	vst v6  }
0x8e: {  	[tilespmem:s21], [sflag:$0x3] =	stream.indirect_vreg.gather [hbm4b:s1+s3], $0x80, v8, vm0, $0xb8;
	[tilespmem:$0x15300] =	vst v63  }
0x8f: {  	s4 =	simm.s32 $0x9B00;
	v6 =	vperm.xlane v7, v5  }
0x90: {  	[tilespmem:s4], [sflag:$0x3] =	stream.indirect_vreg.gather [hbm4b:s6+s3], $0x80, v8, vm0, $0xb8;
	[tilespmem:$0x15300] =	vst v63  }
0x91: {  	s17 =	simm.s32 $0xA300;
	v6 =	vadd.s32 v4, v6  }
0x92: {  	[tilespmem:s17], [sflag:$0x3] =	stream.indirect_vreg.gather [hbm4b:s7+s3], $0x80, v8, vm0, $0xb8;
	[tilespmem:$0x15300] =	vst v63  }
0x93: {  	s20 =	simm.s32 $0xAB00  }
0x94: {  	[tilespmem:s20], [sflag:$0x3] =	stream.indirect_vreg.gather [hbm4b:s8+s3], $0x80, v8, vm0, $0xb8;
	[tilespmem:$0x15300] =	vst v63  }
0x95: {  	s4 =	simm.s32 $0xB300  }
0x96: {  	[tilespmem:s4], [sflag:$0x3] =	stream.indirect_vreg.gather [hbm4b:s1+s3], $0x80, v6, vm0, $0xb8;
	[tilespmem:$0x15300] =	vst v63  }
0x97: {  	s17 =	simm.s32 $0xBB00  }
0x98: {  	[tilespmem:s17], [sflag:$0x3] =	stream.indirect_vreg.gather [hbm4b:s6+s3], $0x80, v6, vm0, $0xb8;
	[tilespmem:$0x15300] =	vst v63  }
0x99: {  	s20 =	simm.s32 $0xC300  }
0x9a: {  	[tilespmem:s20], [sflag:$0x3] =	stream.indirect_vreg.gather [hbm4b:s7+s3], $0x80, v6, vm0, $0xb8;
	[tilespmem:$0x15300] =	vst v63  }
0x9b: {  	s4 =	simm.s32 $0xCB00  }
0x9c: {  	[tilespmem:s4], [sflag:$0x3] =	stream.indirect_vreg.gather [hbm4b:s8+s3], $0x80, v6, vm0, $0xb8;
	[tilespmem:$0x15300] =	vst v63  }
0x9d: {  	v6 =	vld [tilespmem:$0x1030];
	_ =	sdelay $0x4  }
0x9e: {  	v6 =	vadd.s32 $0xFFFFFFFF, v6  }
0x9f: {  	vm1 =	vgt.s32 v6, $0x0  }
0xa0: {  	v6 =	vnsel vm1, $0x0, v6  }
0xa1: {  	v7 =	vshll.u32 v6, $0x3  }
0xa2: {  	v62 =	vand.u32 $0x7, v6;
	v7 =	vand.u32 $0xFFFFFFC0, v7  }
0xa3: {  	v7 =	vor.u32 v62, v7  }
0xa4: {  	v8 =	vperm.xlane v7, v3;
	_ =	sdelay $0x1  }
0xa5: {  	v8 =	vadd.s32 v4, v8;
	_ =	sdelay $0x3  }
0xa6: {  	[tilespmem:$0x1200] =	vst v6  }
0xa7: {  	[tilespmem:s31], [sflag:$0x4] =	stream.indirect_vreg.gather [hbm4b:s1+s3], $0x80, v8, vm0, $0xb8;
	[tilespmem:$0x15300] =	vst v63  }
0xa8: {  	s17 =	simm.s32 $0xDB00;
	v6 =	vperm.xlane v7, v5  }
0xa9: {  	[tilespmem:s17], [sflag:$0x4] =	stream.indirect_vreg.gather [hbm4b:s6+s3], $0x80, v8, vm0, $0xb8;
	[tilespmem:$0x15300] =	vst v63  }
0xaa: {  	s20 =	simm.s32 $0xE300;
	v6 =	vadd.s32 v4, v6  }
0xab: {  	[tilespmem:s20], [sflag:$0x4] =	stream.indirect_vreg.gather [hbm4b:s7+s3], $0x80, v8, vm0, $0xb8;
	[tilespmem:$0x15300] =	vst v63  }
0xac: {  	s4 =	simm.s32 $0xEB00  }
0xad: {  	[tilespmem:s4], [sflag:$0x4] =	stream.indirect_vreg.gather [hbm4b:s8+s3], $0x80, v8, vm0, $0xb8;
	[tilespmem:$0x15300] =	vst v63  }
0xae: {  	s17 =	simm.s32 $0xF300  }
0xaf: {  	[tilespmem:s17], [sflag:$0x4] =	stream.indirect_vreg.gather [hbm4b:s1+s3], $0x80, v6, vm0, $0xb8;
	[tilespmem:$0x15300] =	vst v63  }
0xb0: {  	s20 =	simm.s32 $0xFB00  }
0xb1: {  	[tilespmem:s20], [sflag:$0x4] =	stream.indirect_vreg.gather [hbm4b:s6+s3], $0x80, v6, vm0, $0xb8;
	[tilespmem:$0x15300] =	vst v63  }
0xb2: {  	s4 =	simm.s32 $0x10300  }
0xb3: {  	[tilespmem:s4], [sflag:$0x4] =	stream.indirect_vreg.gather [hbm4b:s7+s3], $0x80, v6, vm0, $0xb8;
	[tilespmem:$0x15300] =	vst v63  }
0xb4: {  	s17 =	simm.s32 $0x10B00  }
0xb5: {  	[tilespmem:s17], [sflag:$0x4] =	stream.indirect_vreg.gather [hbm4b:s8+s3], $0x80, v6, vm0, $0xb8;
	[tilespmem:$0x15300] =	vst v63  }
0xb6: {  	v6 =	vld [tilespmem:$0x1040];
	_ =	sdelay $0x4  }
0xb7: {  	v6 =	vadd.s32 $0xFFFFFFFF, v6  }
0xb8: {  	vm1 =	vgt.s32 v6, $0x0  }
0xb9: {  	v6 =	vnsel vm1, $0x0, v6  }
0xba: {  	v7 =	vshll.u32 v6, $0x3  }
0xbb: {  	v63 =	vand.u32 $0x7, v6;
	v7 =	vand.u32 $0xFFFFFFC0, v7  }
0xbc: {  	v7 =	vor.u32 v63, v7  }
0xbd: {  	v8 =	vperm.xlane v7, v3;
	_ =	sdelay $0x1  }
0xbe: {  	v8 =	vadd.s32 v4, v8;
	_ =	sdelay $0x3  }
0xbf: {  	[tilespmem:$0x1280] =	vst v6  }
0xc0: {  	[tilespmem:s25], [sflag:$0x5] =	stream.indirect_vreg.gather [hbm4b:s1+s3], $0x80, v8, vm0, $0xb8;
	[tilespmem:$0x15300] =	vst v63  }
0xc1: {  	s20 =	simm.s32 $0x11B00;
	v6 =	vperm.xlane v7, v5  }
0xc2: {  	[tilespmem:s20], [sflag:$0x5] =	stream.indirect_vreg.gather [hbm4b:s6+s3], $0x80, v8, vm0, $0xb8;
	[tilespmem:$0x15300] =	vst v63  }
0xc3: {  	s4 =	simm.s32 $0x12300;
	v6 =	vadd.s32 v4, v6  }
0xc4: {  	[tilespmem:s4], [sflag:$0x5] =	stream.indirect_vreg.gather [hbm4b:s7+s3], $0x80, v8, vm0, $0xb8;
	[tilespmem:$0x15300] =	vst v63  }
0xc5: {  	s17 =	simm.s32 $0x12B00  }
0xc6: {  	[tilespmem:s17], [sflag:$0x5] =	stream.indirect_vreg.gather [hbm4b:s8+s3], $0x80, v8, vm0, $0xb8;
	[tilespmem:$0x15300] =	vst v63  }
0xc7: {  	s20 =	simm.s32 $0x13300  }
0xc8: {  	[tilespmem:s20], [sflag:$0x5] =	stream.indirect_vreg.gather [hbm4b:s1+s3], $0x80, v6, vm0, $0xb8;
	[tilespmem:$0x15300] =	vst v63  }
0xc9: {  	s4 =	simm.s32 $0x13B00  }
0xca: {  	[tilespmem:s4], [sflag:$0x5] =	stream.indirect_vreg.gather [hbm4b:s6+s3], $0x80, v6, vm0, $0xb8;
	[tilespmem:$0x15300] =	vst v63  }
0xcb: {  	s17 =	simm.s32 $0x14300  }
0xcc: {  	[tilespmem:s17], [sflag:$0x5] =	stream.indirect_vreg.gather [hbm4b:s7+s3], $0x80, v6, vm0, $0xb8;
	[tilespmem:$0x15300] =	vst v63  }
0xcd: {  	s20 =	simm.s32 $0x14B00  }
0xce: {  	[tilespmem:s20], [sflag:$0x5] =	stream.indirect_vreg.gather [hbm4b:s8+s3], $0x80, v6, vm0, $0xb8;
	[tilespmem:$0x15300] =	vst v63  }
0xcf: {  	_ =	swait.ge [sflag:s22], $0x4000  }
0xd0: {  	[sflag:s22] =	ssyncset.done $0x0  }
0xd1: {  	[sflag:s22] =	ssyncadd.s32 $0xFFFFC000  }
0xd2: {  	[hbm4b:s9+s3] =	stream.linear.scatter [tilespmem:s19], [sflag:$0x6], $0x4000, $0x38;
	[tilespmem:$0x15300] =	vst v63  }
0xd3: {  	_ =	swait.ge [sflag:s23], $0x4000  }
0xd4: {  	[sflag:s23] =	ssyncset.done $0x0  }
0xd5: {  	[sflag:s23] =	ssyncadd.s32 $0xFFFFC000  }
0xd6: {  	[hbm4b:s10+s3] =	stream.linear.scatter [tilespmem:s28], [sflag:$0x6], $0x4000, $0x38;
	[tilespmem:$0x15300] =	vst v63  }
0xd7: {  	_ =	swait.ge [sflag:s24], $0x4000  }
0xd8: {  	[sflag:s24] =	ssyncset.done $0x0  }
0xd9: {  	[sflag:s24] =	ssyncadd.s32 $0xFFFFC000  }
0xda: {  	[hbm4b:s11+s3] =	stream.linear.scatter [tilespmem:s21], [sflag:$0x6], $0x4000, $0x38;
	[tilespmem:$0x15300] =	vst v63  }
0xdb: {  	_ =	swait.ge [sflag:s26], $0x4000  }
0xdc: {  	[sflag:s26] =	ssyncset.done $0x0  }
0xdd: {  	[sflag:s26] =	ssyncadd.s32 $0xFFFFC000  }
0xde: {  	[hbm4b:s12+s3] =	stream.linear.scatter [tilespmem:s31], [sflag:$0x6], $0x4000, $0x38;
	[tilespmem:$0x15300] =	vst v63  }
0xdf: {  	_ =	swait.ge [sflag:s29], $0x4000  }
0xe0: {  	[sflag:s29] =	ssyncset.done $0x0  }
0xe1: {  	[sflag:s29] =	ssyncadd.s32 $0xFFFFC000  }
0xe2: {  	[hbm4b:s13+s3] =	stream.linear.scatter [tilespmem:s25], [sflag:$0x6], $0x4000, $0x38;
	[tilespmem:$0x15300] =	vst v63  }
0xe3: {  	_ =	swait.ge [sflag:s30], $0x4000  }
0xe4: {  	[sflag:s30] =	ssyncset.done $0x0  }
0xe5: {  	[sflag:s30] =	ssyncadd.s32 $0xFFFFC000  }
0xe6: {  	_ =	swait.ge [sflag:s30], $0x4000  }
0xe7: {  	[sflag:s30] =	ssyncset.done $0x0  }
0xe8: {  	[sflag:s30] =	ssyncadd.s32 $0xFFFFC000  }
0xe9: {  	_ =	swait.ge [sflag:s30], $0x4000  }
0xea: {  	[sflag:s30] =	ssyncset.done $0x0  }
0xeb: {  	[sflag:s30] =	ssyncadd.s32 $0xFFFFC000  }
0xec: {  	_ =	swait.ge [sflag:s30], $0x4000  }
0xed: {  	[sflag:s30] =	ssyncset.done $0x0  }
0xee: {  	[sflag:s30] =	ssyncadd.s32 $0xFFFFC000  }
0xef: {  	s0 =	sadd.s32 $0x1, s0;
	_ =	swait.ge [sflag:s30], $0x4000  }
0xf0: {  	p0 =	sne.s32 s0, s15;
	[sflag:s30] =	ssyncset.done $0x0  }
.Ltmp1:
0xf1: {  	[sflag:s30] =	ssyncadd.s32 $0xFFFFC000;
	(pc) =	sbr.rel @p0 .LBB2_1-.Ltmp1, $4  }
0xf2: {  	[hbm4b:s14+s3] =	stream.linear.scatter [tilespmem:s18], [sflag:$0x7], $0x80, $0x38;
	[tilespmem:$0x15300] =	vst v63  }
0xf3: {  	_ =	swait.ge [sflag:s16], $0x80  }
0xf4: {  	[sflag:s16] =	ssyncset.done $0x0  }
0xf5: {  	[sflag:s16] =	ssyncadd.s32 $0xFFFFFF80  }
0xf6: {  	_ =	sfence.sel $0x180000  }
0xf7: {  	[bflag:$0x0] =	sbarrier.arrive $0xFFFF  }
0xf8: {  	_ =	strace $0x90000047  }
0xf9: {  	s0 =	stileid.u32;
	[bflag:$0x2] =	sbarrier.arrive $0xFFFF  }
0xfa: {  	p0 =	sne.s32 s0, $0x0;
	s0 =	rddreg [dreg:$0x3]  }
0xfb: {  	s0 =	sadd.s32 @!p0 $0x100000, s0  }
0xfc: {  	[sflag:s0] =	ssyncadd.tile.s32 @!p0 $0x1;
	_ =	shalt  }
.Lfunc_end2:
_tile_overlayer_lowered:
.L_overlay_start_2:
0xfd: {  	(tag) =	ssettag $0x2  }
0xfe: {  	s0 =	rddreg [dreg:$0x0];
	s2 =	stileid.u32  }
0xff: {  	s1 =	rddreg [dreg:$0x1];
	p0 =	sne.s32 s2, $0x0  }
0x100: {  	s3 =	rddreg [dreg:$0x2];
	[bflag:$0x3] =	sbarrier.arrive $0xFFFF;
	s2 =	simm.s32 @!p0 $0x1C07  }
0x101: {  	[timem:s3], [sflag:s2] =	dma.local @!p0 [hbm:s0], s1  }
0x102: {  	s0 =	simm.s32 @!p0 $0x7  }
0x103: {  	_ =	swait.ge @!p0 [sflag:s0], s1  }
0x104: {  	s1 =	ssub.s32 @!p0 $0x0, s1;
	[sflag:s0] =	ssyncset.done @!p0 $0x0  }
0x105: {  	[sflag:s0] =	ssyncadd.s32 @!p0 s1  }
0x106: {  	[bflag:$0x3] =	sbarrier.arrive $0xFFFF  }
0x107: {  	_ =	shalt  }

</sc_bundles>
